<compile_context>
chip_gen: v7x
topology: tpu7x:2x2x1
jax: 0.10.2.dev20260603
libtpu: 0.0.44.dev20260713+nightly
codegen_flags: <defaults>
</compile_context>

<pallas_src>
import functools

import jax
import jax.numpy as jnp
from jax import lax
from jax.experimental import pallas as pl
from jax.experimental.pallas import tpu as pltpu
from jax.experimental.pallas import tpu_sc as plsc

N = 4096
M = 1024
ETA = 0.1
MU_WTS = 2.5

LW_BLK = 128
GB = 8
IDX_CAP = N + 128


def _sc_compact_body(f_hbm, idx_hbm, cnt_hbm, f_v, idx_v, cnt_v):
    cid = lax.axis_index("c")
    sid = lax.axis_index("s")
    wid = sid * 2 + cid

    @pl.when(wid == 0)
    def _():
        pltpu.sync_copy(f_hbm, f_v)
        iota = lax.broadcasted_iota(jnp.int32, (16,), 0)
        zeros16 = jnp.zeros((16,), jnp.int32)

        def compact_body(c, cnt):
            fv = f_v[pl.ds(c * 16, 16)]
            mi = fv.astype(jnp.int32)
            pos = plsc.cumsum(mi)
            plsc.store_scatter(idx_v, [pos + (cnt - 1)], iota + c * 16,
                               mask=fv > 0.0)
            return cnt + jnp.sum(mi)

        cnt = lax.fori_loop(0, N // 16, compact_body, jnp.int32(0))
        idx_v[pl.ds(cnt, 16)] = zeros16
        cnt_v[...] = zeros16 + cnt
        pltpu.sync_copy(idx_v, idx_hbm)
        pltpu.sync_copy(cnt_v, cnt_hbm)


@functools.cache
def _sc_compact():
    return pl.kernel(
        _sc_compact_body,
        out_type=[
            jax.ShapeDtypeStruct((IDX_CAP,), jnp.int32),
            jax.ShapeDtypeStruct((16,), jnp.int32),
        ],
        mesh=plsc.VectorSubcoreMesh(core_axis_name="c",
                                    subcore_axis_name="s",
                                    num_cores=2, num_subcores=16),
        compiler_params=pltpu.CompilerParams(needs_layout_passes=False),
        scratch_types=[
            pltpu.VMEM((N,), jnp.float32),
            pltpu.VMEM((IDX_CAP,), jnp.int32),
            pltpu.VMEM((16,), jnp.int32),
        ],
    )


def _gather_body(idx_ref, cnt_ref, x_ref, thr_ref, w_any, nf_ref,
                 buf0, buf1, acc_ref, sem0, sem1):
    cnt = cnt_ref[0]
    nb = (cnt + GB - 1) // GB

    def start_batch(b, buf, sem):
        for r in range(GB):
            j = idx_ref[b * GB + r]
            pltpu.make_async_copy(w_any.at[pl.ds(j, 1)],
                                  buf.at[pl.ds(r, 1)], sem).start()

    def wait_batch(buf, sem):
        for r in range(GB):
            pltpu.make_async_copy(w_any.at[pl.ds(0, 1)],
                                  buf.at[pl.ds(r, 1)], sem).wait()

    acc_ref[...] = jnp.zeros((GB, N), jnp.float32)

    @pl.when(nb > 0)
    def _():
        start_batch(0, buf0, sem0)

    def bbody(b, carry):
        even = lax.rem(b, 2) == 0

        @pl.when(b + 1 < nb)
        def _():
            @pl.when(even)
            def _():
                start_batch(b + 1, buf1, sem1)

            @pl.when(jnp.logical_not(even))
            def _():
                start_batch(b + 1, buf0, sem0)

        rows = lax.broadcasted_iota(jnp.int32, (GB, 1), 0) + b * GB
        wmask = jnp.where(rows < cnt, 1.0, 0.0).astype(jnp.float32)

        @pl.when(even)
        def _():
            wait_batch(buf0, sem0)
            acc_ref[...] += buf0[...] * wmask

        @pl.when(jnp.logical_not(even))
        def _():
            wait_batch(buf1, sem1)
            acc_ref[...] += buf1[...] * wmask

        return carry

    lax.fori_loop(0, nb, bbody, jnp.int32(0))

    node = jnp.sum(acc_ref[...], axis=0, keepdims=True)
    nf_ref[...] = (node + x_ref[...] > thr_ref[...]).astype(jnp.float32)


def _phase2_body(nf_ref, w_ref, thr_ref, wout_ref, act_ref, maxv_ref,
                 maxi_ref, smax, sidx):
    i = pl.program_id(0)
    w = w_ref[...]
    wout_ref[...] = w
    wb = w.astype(jnp.bfloat16).astype(jnp.float32)
    a = lax.dot_general(wb, nf_ref[...], (((1,), (1,)), ((), ())),
                        preferred_element_type=jnp.float32)
    lgn_act = jnp.maximum(a, 0.0)
    act_ref[...] = lgn_act
    actv = jnp.maximum(lgn_act - thr_ref[...], 0.0)
    bmax = jnp.max(actv)
    iota = lax.broadcasted_iota(jnp.int32, (LW_BLK, 1), 0)
    bidx = jnp.min(jnp.where(actv == bmax, iota, 2 ** 30)) + i * LW_BLK

    @pl.when(i == 0)
    def _():
        smax[0] = bmax
        sidx[0] = bidx

    @pl.when(i > 0)
    def _():
        better = bmax > smax[0]
        smax[0] = jnp.where(better, bmax, smax[0])
        sidx[0] = jnp.where(better, bidx, sidx[0])

    @pl.when(i == pl.num_programs(0) - 1)
    def _():
        maxv_ref[0, 0] = smax[0]
        maxi_ref[0, 0] = sidx[0]


def _phase3_body(maxi_ref, maxv_ref, nf_ref, thr_ref, w_any, wout_any,
                 throut_ref, row_ref, sem):
    idx = maxi_ref[0, 0]
    maxv = maxv_ref[0, 0]
    fired = maxv > 0.0
    iota = lax.broadcasted_iota(jnp.int32, (M, 1), 0)
    bump = jnp.where((iota == idx) & fired, 0.005 * maxv, 0.0)
    throut_ref[...] = thr_ref[...] + bump

    @pl.when(fired)
    def _():
        cp_in = pltpu.make_async_copy(w_any.at[pl.ds(idx, 1)], row_ref, sem)
        cp_in.start()
        cp_in.wait()
        w_new = row_ref[...] + (ETA * maxv) * nf_ref[...]
        mean = jnp.sum(w_new) / float(N)
        row_ref[...] = w_new / mean * MU_WTS
        cp_out = pltpu.make_async_copy(row_ref, wout_any.at[pl.ds(idx, 1)],
                                       sem)
        cp_out.start()
        cp_out.wait()


@jax.jit
def kernel(x, is_firing, retina_weights, lgn_weights, lgn_threshold,
           node_threshold):
    x_row = x.reshape(1, N)
    nthr_row = node_threshold.reshape(1, N)
    lthr_col = lgn_threshold.reshape(M, 1)

    idx, cnt = _sc_compact()(is_firing)

    nf_row = pl.pallas_call(
        _gather_body,
        grid=(1,),
        in_specs=[
            pl.BlockSpec(memory_space=pltpu.SMEM),
            pl.BlockSpec(memory_space=pltpu.SMEM),
            pl.BlockSpec((1, N), lambda i: (0, 0)),
            pl.BlockSpec((1, N), lambda i: (0, 0)),
            pl.BlockSpec(memory_space=pl.ANY),
        ],
        out_specs=pl.BlockSpec((1, N), lambda i: (0, 0)),
        out_shape=jax.ShapeDtypeStruct((1, N), jnp.float32),
        scratch_shapes=[
            pltpu.VMEM((GB, N), jnp.float32),
            pltpu.VMEM((GB, N), jnp.float32),
            pltpu.VMEM((GB, N), jnp.float32),
            pltpu.SemaphoreType.DMA,
            pltpu.SemaphoreType.DMA,
        ],
    )(idx, cnt, x_row, nthr_row, retina_weights)

    wcopy, lgn_act_col, maxv, maxi = pl.pallas_call(
        _phase2_body,
        grid=(M // LW_BLK,),
        in_specs=[
            pl.BlockSpec((1, N), lambda i: (0, 0)),
            pl.BlockSpec((LW_BLK, N), lambda i: (i, 0)),
            pl.BlockSpec((LW_BLK, 1), lambda i: (i, 0)),
        ],
        out_specs=[
            pl.BlockSpec((LW_BLK, N), lambda i: (i, 0)),
            pl.BlockSpec((LW_BLK, 1), lambda i: (i, 0)),
            pl.BlockSpec(memory_space=pltpu.SMEM),
            pl.BlockSpec(memory_space=pltpu.SMEM),
        ],
        out_shape=[
            jax.ShapeDtypeStruct((M, N), jnp.float32),
            jax.ShapeDtypeStruct((M, 1), jnp.float32),
            jax.ShapeDtypeStruct((1, 1), jnp.float32),
            jax.ShapeDtypeStruct((1, 1), jnp.int32),
        ],
        scratch_shapes=[
            pltpu.SMEM((1,), jnp.float32),
            pltpu.SMEM((1,), jnp.int32),
        ],
    )(nf_row, lgn_weights, lthr_col)

    new_w, new_thr_col = pl.pallas_call(
        _phase3_body,
        grid=(1,),
        in_specs=[
            pl.BlockSpec(memory_space=pltpu.SMEM),
            pl.BlockSpec(memory_space=pltpu.SMEM),
            pl.BlockSpec((1, N), lambda i: (0, 0)),
            pl.BlockSpec((M, 1), lambda i: (0, 0)),
            pl.BlockSpec(memory_space=pl.ANY),
        ],
        out_specs=[
            pl.BlockSpec(memory_space=pl.ANY),
            pl.BlockSpec((M, 1), lambda i: (0, 0)),
        ],
        out_shape=[
            jax.ShapeDtypeStruct((M, N), jnp.float32),
            jax.ShapeDtypeStruct((M, 1), jnp.float32),
        ],
        scratch_shapes=[
            pltpu.VMEM((1, N), jnp.float32),
            pltpu.SemaphoreType.DMA,
        ],
        input_output_aliases={4: 0},
    )(maxi, maxv, nf_row, lthr_col, wcopy)

    return (lgn_act_col.reshape(M), nf_row.reshape(N), new_w,
            new_thr_col.reshape(M))

# --- scband reference (transcript-rebuilt; emitter-appended) ---
"""Pipeline reference for scband-lgnlayer-9594956939813 (READ-ONLY COPY).

The authoritative reference and input builder live on the scoring server;
editing this copy changes nothing except your own understanding.
"""

import jax, jax.numpy as jnp
import numpy as np

N = 4096  # num_neurons_retina
M = 1024  # num_neurons_lgn
SQ = 10.0  # square_size
NB = 2.0   # neighbourhood_size
ETA = 0.1
MU_WTS = 2.5
SIGMA_WTS = 0.14


def pairwise_distance(u, v=None):
    if v is None:
        v = u
    d2 = jnp.sum((u[:, None, :] - v[None, :, :]) ** 2, axis=2)
    return jnp.sqrt(jnp.maximum(d2, 0.0))


def setup_inputs(seed: int = 0) -> dict:
    key = jax.random.key(seed)
    ks = jax.random.split(key, 8)
    # retina topology on a square, as in __init__
    topology = jax.random.uniform(ks[0], (N, 2)) * SQ
    dist_matrix = pairwise_distance(topology)
    # Node weights: Gaussian neighbourhood kernel, zero outside neighbourhood_size
    # (stands in for Node(topology[i], dist_matrix[i], neighbourhood_size).get_weights())
    sigma = NB / 2.0
    retina_weights = jnp.where((dist_matrix < NB) & (dist_matrix > 0.0),
                               jnp.exp(-dist_matrix ** 2 / (2.0 * sigma ** 2)),
                               0.0).astype(jnp.float32)
    node_threshold = (1.0 + 0.1 * jax.random.normal(ks[1], (N,))).astype(jnp.float32)
    # LGN weights: normal(mu_wts, sigma_wts), row-normalized to mean mu_wts
    lgn_weights = MU_WTS + SIGMA_WTS * jax.random.normal(ks[2], (M, N))
    lgn_weights = (lgn_weights / jnp.mean(lgn_weights, axis=1, keepdims=True) * MU_WTS).astype(jnp.float32)
    lgn_threshold = (70.0 + 2.0 * jax.random.normal(ks[3], (M,))).astype(jnp.float32)
    # firing state (reset_state gives zeros; use sparse random firing for a nontrivial step)
    is_firing = (jax.random.uniform(ks[4], (N,)) < 0.2).astype(jnp.float32)
    x = jax.random.normal(ks[5], (N,), dtype=jnp.float32)
    return {
        "x": x,
        "is_firing": is_firing,
        "retina_weights": retina_weights,
        "lgn_weights": lgn_weights,
        "lgn_threshold": lgn_threshold,
        "node_threshold": node_threshold,
    }


def reference(x, is_firing, retina_weights, lgn_weights, lgn_threshold, node_threshold):
    # node_x[i] = <node_i weights, is_firing>  (the per-node matmul loop, vectorized)
    node_x = retina_weights @ is_firing
    # each Node updates its firing state from its input current (and external drive x)
    new_firing = (node_x + x > node_threshold).astype(jnp.float32)
    # LGN activation
    lgn_act = lgn_weights @ new_firing
    lgn_act = jnp.maximum(lgn_act, 0.0)  # lgn_act[lgn_act < 0] = 0
    act = jnp.maximum(lgn_act - lgn_threshold, 0.0)
    max_val = jnp.max(act)
    max_idx = jnp.argmax(act)
    # winner-take-all Hebbian update (loop of 2 half-steps == one full eta step)
    w_row = lgn_weights[max_idx] + 2.0 * 0.5 * (ETA * max_val * new_firing)
    w_row = w_row / jnp.mean(w_row) * MU_WTS
    fired = max_val > 0.0
    new_lgn_weights = jnp.where(fired, lgn_weights.at[max_idx].set(w_row), lgn_weights)
    new_lgn_threshold = lgn_threshold.at[max_idx].add(jnp.where(fired, 0.005 * max_val, 0.0))
    return lgn_act, new_firing, new_lgn_weights, new_lgn_threshold

if __name__ == "__main__":
    import jax
    _d = setup_inputs()
    print(jax.jit(kernel)(*tuple(_d.values())))

</pallas_src>

<mosaic_0001>
#map = affine_map<(d0, d1) -> (0)>
module attributes {stable_mosaic.version = 14 : i64} {
  func.func @_sc_compact_body(%arg0: i32, %arg1: i32, %arg2: memref<4096xf32, #tpu.memory_space<hbm>>, %arg3: memref<4224xi32, #tpu.memory_space<hbm>>, %arg4: memref<16xi32, #tpu.memory_space<hbm>>, %arg5: memref<4096xf32, #tpu.memory_space<vmem>>, %arg6: memref<4224xi32, #tpu.memory_space<vmem>>, %arg7: memref<16xi32, #tpu.memory_space<vmem>>) attributes {dimension_semantics = [#tpu.dimension_semantics<core_parallel>, #tpu.dimension_semantics<subcore_parallel>], iteration_bounds = array<i64: 2, 16>, scalar_prefetch = 0 : i64, scratch_operands = 3 : i64, tpu.core_type = #tpu.core_type<sc_vector_subcore>, window_params = [{transform_indices = #map}, {transform_indices = #map}, {transform_indices = #map}]} {
    %mul3A = arith.constant 2 : i32
    %mul3A_0 = arith.muli %arg1, %mul3A : i32
    %add3A = arith.addi %mul3A_0, %arg0 : i32
    %eq3A = arith.constant 0 : i32
    %eq3A_1 = arith.cmpi eq, %add3A, %eq3A : i32
    %convert_element_type3A = arith.extui %eq3A_1 : i1 to i32
    %cond3A = arith.constant 0 : i32
    %cond3A_2 = arith.cmpi ne, %convert_element_type3A, %cond3A : i32
    scf.if %cond3A_2 {
      "tpu.region"() ({
        %run_scoped3A = tpu.sem_alloc : memref<!tpu.dma_semaphore, #tpu.memory_space<semaphore_mem>>
        tpu.enqueue_dma source(%arg2 : memref<4096xf32, #tpu.memory_space<hbm>>) target(%arg5 : memref<4096xf32, #tpu.memory_space<vmem>>) target_semaphore(%run_scoped3A : memref<!tpu.dma_semaphore, #tpu.memory_space<semaphore_mem>>)
        tpu.wait_dma2 semaphore(%run_scoped3A : memref<!tpu.dma_semaphore, #tpu.memory_space<semaphore_mem>>) src(%arg2 : memref<4096xf32, #tpu.memory_space<hbm>>) dst(%arg5 : memref<4096xf32, #tpu.memory_space<vmem>>)
        tpu.yield
      }) : () -> ()
      %iota3A = tpu.iota {dimensions = array<i32: 0>} : vector<16xi32>
      %broadcast_in_dim3A = arith.constant 0 : i32
      %broadcast_in_dim3A_3 = vector.broadcast %broadcast_in_dim3A : i32 to vector<16xi32>
      %scan3A = arith.constant 0 : i32
      %scan3A_4 = arith.constant 0 : i32
      %scan3A_5 = arith.constant 256 : i32
      %scan3A_6 = arith.addi %scan3A_4, %scan3A_5 : i32
      %scan3A_7 = arith.constant 1 : i32
      %scan3A_8 = scf.for %scan3A_15 = %scan3A_4 to %scan3A_6 step %scan3A_7 iter_args(%scan3A_16 = %scan3A) -> (i32)  : i32 {
        %mul3A_17 = arith.constant 16 : i32
        %mul3A_18 = arith.muli %scan3A_15, %mul3A_17 : i32
        %get3A = arith.index_cast %mul3A_18 : i32 to index
        %get3A_19 = tpu.vector_load %arg5[%get3A] {strides = array<i32>} : memref<4096xf32, #tpu.memory_space<vmem>>, vector<16xf32>,
        %convert_element_type3A_20 = arith.fptosi %get3A_19 : vector<16xf32> to vector<16xi32>
        %broadcast_in_dim3A_21 = arith.constant true
        %broadcast_in_dim3A_22 = vector.broadcast %broadcast_in_dim3A_21 : i1 to vector<16xi1>
        %masked_cumsum3A = tpu.scan <sum>, %convert_element_type3A_20 masked %broadcast_in_dim3A_22 : vector<16xi32>, vector<16xi1> -> vector<16xi32>
        %sub3A = arith.constant 1 : i32
        %sub3A_23 = arith.subi %scan3A_16, %sub3A : i32
        %add3A_24 = vector.broadcast %sub3A_23 : i32 to vector<16xi32>
        %add3A_25 = arith.addi %masked_cumsum3A, %add3A_24 : vector<16xi32>
        %mul3A_26 = arith.constant 16 : i32
        %mul3A_27 = arith.muli %scan3A_15, %mul3A_26 : i32
        %add3A_28 = vector.broadcast %mul3A_27 : i32 to vector<16xi32>
        %add3A_29 = arith.addi %iota3A, %add3A_28 : vector<16xi32>
        %gt3A = arith.constant 0.000000e+00 : f32
        %gt3A_30 = vector.broadcast %gt3A : f32 to vector<16xf32>
        %gt3A_31 = arith.cmpf ogt, %get3A_19, %gt3A_30 : vector<16xf32>
        tpu.vector_store_idx %arg6[%add3A_25], %add3A_29 masked %gt3A_31 : memref<4224xi32, #tpu.memory_space<vmem>>[vector<16xi32>], vector<16xi32>, vector<16xi1>
        %reduce_sum3A = arith.constant true
        %reduce_sum3A_32 = vector.broadcast %reduce_sum3A : i1 to vector<16xi1>
        %reduce_sum3A_33 = tpu.scan <sum>, %convert_element_type3A_20 masked %reduce_sum3A_32 : vector<16xi32>, vector<16xi1> -> vector<16xi32>
        %reduce_sum3A_34 = vector.extract %reduce_sum3A_33[15] : i32 from vector<16xi32>
        %add3A_35 = arith.addi %scan3A_16, %reduce_sum3A_34 : i32
        scf.yield %add3A_35 : i32
      }
      %scan3A_9 = arith.constant 256 : i32
      %swap3A = arith.index_cast %scan3A_8 : i32 to index
      %swap3A_10 = tpu.vector_load %arg6[%swap3A] {strides = array<i32>} : memref<4224xi32, #tpu.memory_space<vmem>>, vector<16xi32>,
      tpu.vector_store %arg6[%swap3A], %broadcast_in_dim3A_3 {strides = array<i32>} : memref<4224xi32, #tpu.memory_space<vmem>>, vector<16xi32>,
      %add3A_11 = vector.broadcast %scan3A_8 : i32 to vector<16xi32>
      %add3A_12 = arith.addi %broadcast_in_dim3A_3, %add3A_11 : vector<16xi32>
      %swap3A_13 = arith.constant 0 : index
      %swap3A_14 = tpu.vector_load %arg7[%swap3A_13] {strides = array<i32>} : memref<16xi32, #tpu.memory_space<vmem>>, vector<16xi32>,
      tpu.vector_store %arg7[%swap3A_13], %add3A_12 {strides = array<i32>} : memref<16xi32, #tpu.memory_space<vmem>>, vector<16xi32>,
      "tpu.region"() ({
        %run_scoped3A = tpu.sem_alloc : memref<!tpu.dma_semaphore, #tpu.memory_space<semaphore_mem>>
        tpu.enqueue_dma source(%arg6 : memref<4224xi32, #tpu.memory_space<vmem>>) target(%arg3 : memref<4224xi32, #tpu.memory_space<hbm>>) target_semaphore(%run_scoped3A : memref<!tpu.dma_semaphore, #tpu.memory_space<semaphore_mem>>)
        tpu.wait_dma2 semaphore(%run_scoped3A : memref<!tpu.dma_semaphore, #tpu.memory_space<semaphore_mem>>) src(%arg6 : memref<4224xi32, #tpu.memory_space<vmem>>) dst(%arg3 : memref<4224xi32, #tpu.memory_space<hbm>>)
        tpu.yield
      }) : () -> ()
      "tpu.region"() ({
        %run_scoped3A = tpu.sem_alloc : memref<!tpu.dma_semaphore, #tpu.memory_space<semaphore_mem>>
        tpu.enqueue_dma source(%arg7 : memref<16xi32, #tpu.memory_space<vmem>>) target(%arg4 : memref<16xi32, #tpu.memory_space<hbm>>) target_semaphore(%run_scoped3A : memref<!tpu.dma_semaphore, #tpu.memory_space<semaphore_mem>>)
        tpu.wait_dma2 semaphore(%run_scoped3A : memref<!tpu.dma_semaphore, #tpu.memory_space<semaphore_mem>>) src(%arg7 : memref<16xi32, #tpu.memory_space<vmem>>) dst(%arg4 : memref<16xi32, #tpu.memory_space<hbm>>)
        tpu.yield
      }) : () -> ()
    } else {
    }
    return
  }
}

module attributes {stable_mosaic.version = 14 : i64} {
  func.func @_gather_body(%arg0: i32, %arg1: memref<4224xi32, #tpu.memory_space<smem>>, %arg2: memref<16xi32, #tpu.memory_space<smem>>, %arg3: memref<1x4096xf32, #tpu.memory_space<vmem>>, %arg4: memref<1x4096xf32, #tpu.memory_space<vmem>>, %arg5: memref<4096x4096xf32, #tpu.memory_space<any>>, %arg6: memref<1x4096xf32, #tpu.memory_space<vmem>>, %arg7: memref<8x4096xf32, #tpu.memory_space<vmem>>, %arg8: memref<8x4096xf32, #tpu.memory_space<vmem>>, %arg9: memref<8x4096xf32, #tpu.memory_space<vmem>>, %arg10: memref<!tpu.dma_semaphore, #tpu.memory_space<semaphore_mem>>, %arg11: memref<!tpu.dma_semaphore, #tpu.memory_space<semaphore_mem>>) attributes {dimension_semantics = [#tpu.dimension_semantics<arbitrary>], iteration_bounds = array<i64: 1>, scalar_prefetch = 0 : i64, scratch_operands = 5 : i64, tpu.core_type = #tpu.core_type<tc>, window_params = [{transform_indices = @transform_0, window_bounds = array<i64: 4224>}, {transform_indices = @transform_1, window_bounds = array<i64: 16>}, {pipeline_mode = #tpu.pipeline_mode<synchronous>, transform_indices = @transform_2, window_bounds = array<i64: 1, 4096>}, {pipeline_mode = #tpu.pipeline_mode<synchronous>, transform_indices = @transform_3, window_bounds = array<i64: 1, 4096>}, {}, {pipeline_mode = #tpu.pipeline_mode<synchronous>, transform_indices = @transform_5, window_bounds = array<i64: 1, 4096>}]} {
    %get3A = arith.constant 0 : index
    %get3A_0 = memref.load %arg2[%get3A] : memref<16xi32, #tpu.memory_space<smem>>
    %add3A = arith.constant 8 : i32
    %add3A_1 = arith.addi %get3A_0, %add3A : i32
    %sub3A = arith.constant 1 : i32
    %sub3A_2 = arith.subi %add3A_1, %sub3A : i32
    %jit3A = arith.constant 8 : i32
    %div3A = arith.divsi %sub3A_2, %jit3A : i32
    %sign3A = arith.constant 0 : i32
    %sign3A_3 = arith.cmpi sgt, %sub3A_2, %sign3A : i32
    %sign3A_4 = arith.extui %sign3A_3 : i1 to i32
    %sign3A_5 = arith.constant 0 : i32
    %sign3A_6 = arith.cmpi slt, %sub3A_2, %sign3A_5 : i32
    %sign3A_7 = arith.extui %sign3A_6 : i1 to i32
    %sign3A_8 = arith.subi %sign3A_4, %sign3A_7 : i32
    %sign3A_9 = arith.constant 0 : i32
    %sign3A_10 = arith.cmpi sgt, %jit3A, %sign3A_9 : i32
    %sign3A_11 = arith.extui %sign3A_10 : i1 to i32
    %sign3A_12 = arith.constant 0 : i32
    %sign3A_13 = arith.cmpi slt, %jit3A, %sign3A_12 : i32
    %sign3A_14 = arith.extui %sign3A_13 : i1 to i32
    %sign3A_15 = arith.subi %sign3A_11, %sign3A_14 : i32
    %ne3A = arith.cmpi ne, %sign3A_8, %sign3A_15 : i32
    %rem3A = arith.remsi %sub3A_2, %jit3A : i32
    %ne3A_16 = arith.constant 0 : i32
    %ne3A_17 = arith.cmpi ne, %rem3A, %ne3A_16 : i32
    %and3A = arith.andi %ne3A, %ne3A_17 : i1
    %sub3A_18 = arith.constant 1 : i32
    %sub3A_19 = arith.subi %div3A, %sub3A_18 : i32
    %select_n3A = arith.select %and3A, %sub3A_19, %div3A : i32
    %broadcast_in_dim3A = arith.constant 0.000000e+00 : f32
    %broadcast_in_dim3A_20 = vector.broadcast %broadcast_in_dim3A : f32 to vector<8x4096xf32>
    %swap3A = arith.constant 0 : index
    %swap3A_21 = arith.constant 0 : index
    %swap3A_22 = vector.load %arg9[%swap3A, %swap3A_21] : memref<8x4096xf32, #tpu.memory_space<vmem>>, vector<8x4096xf32>
    tpu.vector_store %arg9[%swap3A, %swap3A_21], %broadcast_in_dim3A_20 {strides = array<i32>} : memref<8x4096xf32, #tpu.memory_space<vmem>>, vector<8x4096xf32>,
    %gt3A = arith.constant 0 : i32
    %gt3A_23 = arith.cmpi sgt, %select_n3A, %gt3A : i32
    %convert_element_type3A = arith.extui %gt3A_23 : i1 to i32
    %cond3A = arith.constant 0 : i32
    %cond3A_24 = arith.cmpi ne, %convert_element_type3A, %cond3A : i32
    scf.if %cond3A_24 {
      %get3A_52 = arith.constant 0 : index
      %get3A_53 = memref.load %arg1[%get3A_52] : memref<4224xi32, #tpu.memory_space<smem>>
      %dma_start3A = arith.constant 0 : i32
      %dma_start3A_54 = arith.constant 0 : i32
      %dma_start3A_55 = tpu.memref_slice %arg7[%dma_start3A, %dma_start3A_54] : memref<8x4096xf32, #tpu.memory_space<vmem>> -> memref<1x4096xf32, #tpu.memory_space<vmem>>
      %dma_start3A_56 = arith.constant 0 : i32
      %dma_start3A_57 = tpu.memref_slice %arg5[%get3A_53, %dma_start3A_56] : memref<4096x4096xf32, #tpu.memory_space<any>> -> memref<1x4096xf32, #tpu.memory_space<any>>
      tpu.enqueue_dma source(%dma_start3A_57 : memref<1x4096xf32, #tpu.memory_space<any>>) target(%dma_start3A_55 : memref<1x4096xf32, #tpu.memory_space<vmem>>) target_semaphore(%arg10 : memref<!tpu.dma_semaphore, #tpu.memory_space<semaphore_mem>>)
      %get3A_58 = arith.constant 1 : index
      %get3A_59 = memref.load %arg1[%get3A_58] : memref<4224xi32, #tpu.memory_space<smem>>
      %dma_start3A_60 = arith.constant 1 : i32
      %dma_start3A_61 = arith.constant 0 : i32
      %dma_start3A_62 = tpu.memref_slice %arg7[%dma_start3A_60, %dma_start3A_61] : memref<8x4096xf32, #tpu.memory_space<vmem>> -> memref<1x4096xf32, #tpu.memory_space<vmem>>
      %dma_start3A_63 = arith.constant 0 : i32
      %dma_start3A_64 = tpu.memref_slice %arg5[%get3A_59, %dma_start3A_63] : memref<4096x4096xf32, #tpu.memory_space<any>> -> memref<1x4096xf32, #tpu.memory_space<any>>
      tpu.enqueue_dma source(%dma_start3A_64 : memref<1x4096xf32, #tpu.memory_space<any>>) target(%dma_start3A_62 : memref<1x4096xf32, #tpu.memory_space<vmem>>) target_semaphore(%arg10 : memref<!tpu.dma_semaphore, #tpu.memory_space<semaphore_mem>>)
      %get3A_65 = arith.constant 2 : index
      %get3A_66 = memref.load %arg1[%get3A_65] : memref<4224xi32, #tpu.memory_space<smem>>
      %dma_start3A_67 = arith.constant 2 : i32
      %dma_start3A_68 = arith.constant 0 : i32
      %dma_start3A_69 = tpu.memref_slice %arg7[%dma_start3A_67, %dma_start3A_68] : memref<8x4096xf32, #tpu.memory_space<vmem>> -> memref<1x4096xf32, #tpu.memory_space<vmem>>
      %dma_start3A_70 = arith.constant 0 : i32
      %dma_start3A_71 = tpu.memref_slice %arg5[%get3A_66, %dma_start3A_70] : memref<4096x4096xf32, #tpu.memory_space<any>> -> memref<1x4096xf32, #tpu.memory_space<any>>
      tpu.enqueue_dma source(%dma_start3A_71 : memref<1x4096xf32, #tpu.memory_space<any>>) target(%dma_start3A_69 : memref<1x4096xf32, #tpu.memory_space<vmem>>) target_semaphore(%arg10 : memref<!tpu.dma_semaphore, #tpu.memory_space<semaphore_mem>>)
      %get3A_72 = arith.constant 3 : index
      %get3A_73 = memref.load %arg1[%get3A_72] : memref<4224xi32, #tpu.memory_space<smem>>
      %dma_start3A_74 = arith.constant 3 : i32
      %dma_start3A_75 = arith.constant 0 : i32
      %dma_start3A_76 = tpu.memref_slice %arg7[%dma_start3A_74, %dma_start3A_75] : memref<8x4096xf32, #tpu.memory_space<vmem>> -> memref<1x4096xf32, #tpu.memory_space<vmem>>
      %dma_start3A_77 = arith.constant 0 : i32
      %dma_start3A_78 = tpu.memref_slice %arg5[%get3A_73, %dma_start3A_77] : memref<4096x4096xf32, #tpu.memory_space<any>> -> memref<1x4096xf32, #tpu.memory_space<any>>
      tpu.enqueue_dma source(%dma_start3A_78 : memref<1x4096xf32, #tpu.memory_space<any>>) target(%dma_start3A_76 : memref<1x4096xf32, #tpu.memory_space<vmem>>) target_semaphore(%arg10 : memref<!tpu.dma_semaphore, #tpu.memory_space<semaphore_mem>>)
      %get3A_79 = arith.constant 4 : index
      %get3A_80 = memref.load %arg1[%get3A_79] : memref<4224xi32, #tpu.memory_space<smem>>
      %dma_start3A_81 = arith.constant 4 : i32
      %dma_start3A_82 = arith.constant 0 : i32
      %dma_start3A_83 = tpu.memref_slice %arg7[%dma_start3A_81, %dma_start3A_82] : memref<8x4096xf32, #tpu.memory_space<vmem>> -> memref<1x4096xf32, #tpu.memory_space<vmem>>
      %dma_start3A_84 = arith.constant 0 : i32
      %dma_start3A_85 = tpu.memref_slice %arg5[%get3A_80, %dma_start3A_84] : memref<4096x4096xf32, #tpu.memory_space<any>> -> memref<1x4096xf32, #tpu.memory_space<any>>
      tpu.enqueue_dma source(%dma_start3A_85 : memref<1x4096xf32, #tpu.memory_space<any>>) target(%dma_start3A_83 : memref<1x4096xf32, #tpu.memory_space<vmem>>) target_semaphore(%arg10 : memref<!tpu.dma_semaphore, #tpu.memory_space<semaphore_mem>>)
      %get3A_86 = arith.constant 5 : index
      %get3A_87 = memref.load %arg1[%get3A_86] : memref<4224xi32, #tpu.memory_space<smem>>
      %dma_start3A_88 = arith.constant 5 : i32
      %dma_start3A_89 = arith.constant 0 : i32
      %dma_start3A_90 = tpu.memref_slice %arg7[%dma_start3A_88, %dma_start3A_89] : memref<8x4096xf32, #tpu.memory_space<vmem>> -> memref<1x4096xf32, #tpu.memory_space<vmem>>
      %dma_start3A_91 = arith.constant 0 : i32
      %dma_start3A_92 = tpu.memref_slice %arg5[%get3A_87, %dma_start3A_91] : memref<4096x4096xf32, #tpu.memory_space<any>> -> memref<1x4096xf32, #tpu.memory_space<any>>
      tpu.enqueue_dma source(%dma_start3A_92 : memref<1x4096xf32, #tpu.memory_space<any>>) target(%dma_start3A_90 : memref<1x4096xf32, #tpu.memory_space<vmem>>) target_semaphore(%arg10 : memref<!tpu.dma_semaphore, #tpu.memory_space<semaphore_mem>>)
      %get3A_93 = arith.constant 6 : index
      %get3A_94 = memref.load %arg1[%get3A_93] : memref<4224xi32, #tpu.memory_space<smem>>
      %dma_start3A_95 = arith.constant 6 : i32
      %dma_start3A_96 = arith.constant 0 : i32
      %dma_start3A_97 = tpu.memref_slice %arg7[%dma_start3A_95, %dma_start3A_96] : memref<8x4096xf32, #tpu.memory_space<vmem>> -> memref<1x4096xf32, #tpu.memory_space<vmem>>
      %dma_start3A_98 = arith.constant 0 : i32
      %dma_start3A_99 = tpu.memref_slice %arg5[%get3A_94, %dma_start3A_98] : memref<4096x4096xf32, #tpu.memory_space<any>> -> memref<1x4096xf32, #tpu.memory_space<any>>
      tpu.enqueue_dma source(%dma_start3A_99 : memref<1x4096xf32, #tpu.memory_space<any>>) target(%dma_start3A_97 : memref<1x4096xf32, #tpu.memory_space<vmem>>) target_semaphore(%arg10 : memref<!tpu.dma_semaphore, #tpu.memory_space<semaphore_mem>>)
      %get3A_100 = arith.constant 7 : index
      %get3A_101 = memref.load %arg1[%get3A_100] : memref<4224xi32, #tpu.memory_space<smem>>
      %dma_start3A_102 = arith.constant 7 : i32
      %dma_start3A_103 = arith.constant 0 : i32
      %dma_start3A_104 = tpu.memref_slice %arg7[%dma_start3A_102, %dma_start3A_103] : memref<8x4096xf32, #tpu.memory_space<vmem>> -> memref<1x4096xf32, #tpu.memory_space<vmem>>
      %dma_start3A_105 = arith.constant 0 : i32
      %dma_start3A_106 = tpu.memref_slice %arg5[%get3A_101, %dma_start3A_105] : memref<4096x4096xf32, #tpu.memory_space<any>> -> memref<1x4096xf32, #tpu.memory_space<any>>
      tpu.enqueue_dma source(%dma_start3A_106 : memref<1x4096xf32, #tpu.memory_space<any>>) target(%dma_start3A_104 : memref<1x4096xf32, #tpu.memory_space<vmem>>) target_semaphore(%arg10 : memref<!tpu.dma_semaphore, #tpu.memory_space<semaphore_mem>>)
    } else {
    }
    %while3A = arith.constant 0 : i32
    %while3A_25 = arith.constant 0 : i32
    %while3A_26 = arith.subi %select_n3A, %while3A_25 : i32
    %while3A_27 = arith.addi %while3A_25, %while3A_26 : i32
    %while3A_28 = arith.constant 1 : i32
    %while3A_29 = arith.divsi %while3A_26, %while3A_28 : i32
    %while3A_30 = arith.muli %while3A_29, %while3A_28 : i32
    %while3A_31 = arith.addi %while3A_25, %while3A_30 : i32
    %while3A_32 = arith.constant 1 : i32
    scf.for %while3A_52 = %while3A_25 to %while3A_31 step %while3A_32  : i32 {
      %rem3A_53 = arith.constant 2 : i32
      %rem3A_54 = arith.remsi %while3A_52, %rem3A_53 : i32
      %eq3A = arith.constant 0 : i32
      %eq3A_55 = arith.cmpi eq, %rem3A_54, %eq3A : i32
      %add3A_56 = arith.constant 1 : i32
      %add3A_57 = arith.addi %while3A_52, %add3A_56 : i32
      %lt3A = arith.cmpi slt, %add3A_57, %select_n3A : i32
      %convert_element_type3A_58 = arith.extui %lt3A : i1 to i32
      %cond3A_59 = arith.constant 0 : i32
      %cond3A_60 = arith.cmpi ne, %convert_element_type3A_58, %cond3A_59 : i32
      scf.if %cond3A_60 {
        %convert_element_type3A_78 = arith.extui %eq3A_55 : i1 to i32
        %cond3A_79 = arith.constant 0 : i32
        %cond3A_80 = arith.cmpi ne, %convert_element_type3A_78, %cond3A_79 : i32
        scf.if %cond3A_80 {
          %add3A_86 = arith.constant 1 : i32
          %add3A_87 = arith.addi %while3A_52, %add3A_86 : i32
          %mul3A_88 = arith.constant 8 : i32
          %mul3A_89 = arith.muli %add3A_87, %mul3A_88 : i32
          %add3A_90 = arith.constant 0 : i32
          %add3A_91 = arith.addi %mul3A_89, %add3A_90 : i32
          %get3A_92 = arith.index_cast %add3A_91 : i32 to index
          %get3A_93 = memref.load %arg1[%get3A_92] : memref<4224xi32, #tpu.memory_space<smem>>
          %dma_start3A = arith.constant 0 : i32
          %dma_start3A_94 = arith.constant 0 : i32
          %dma_start3A_95 = tpu.memref_slice %arg8[%dma_start3A, %dma_start3A_94] : memref<8x4096xf32, #tpu.memory_space<vmem>> -> memref<1x4096xf32, #tpu.memory_space<vmem>>
          %dma_start3A_96 = arith.constant 0 : i32
          %dma_start3A_97 = tpu.memref_slice %arg5[%get3A_93, %dma_start3A_96] : memref<4096x4096xf32, #tpu.memory_space<any>> -> memref<1x4096xf32, #tpu.memory_space<any>>
          tpu.enqueue_dma source(%dma_start3A_97 : memref<1x4096xf32, #tpu.memory_space<any>>) target(%dma_start3A_95 : memref<1x4096xf32, #tpu.memory_space<vmem>>) target_semaphore(%arg11 : memref<!tpu.dma_semaphore, #tpu.memory_space<semaphore_mem>>)
          %mul3A_98 = arith.constant 8 : i32
          %mul3A_99 = arith.muli %add3A_87, %mul3A_98 : i32
          %add3A_100 = arith.constant 1 : i32
          %add3A_101 = arith.addi %mul3A_99, %add3A_100 : i32
          %get3A_102 = arith.index_cast %add3A_101 : i32 to index
          %get3A_103 = memref.load %arg1[%get3A_102] : memref<4224xi32, #tpu.memory_space<smem>>
          %dma_start3A_104 = arith.constant 1 : i32
          %dma_start3A_105 = arith.constant 0 : i32
          %dma_start3A_106 = tpu.memref_slice %arg8[%dma_start3A_104, %dma_start3A_105] : memref<8x4096xf32, #tpu.memory_space<vmem>> -> memref<1x4096xf32, #tpu.memory_space<vmem>>
          %dma_start3A_107 = arith.constant 0 : i32
          %dma_start3A_108 = tpu.memref_slice %arg5[%get3A_103, %dma_start3A_107] : memref<4096x4096xf32, #tpu.memory_space<any>> -> memref<1x4096xf32, #tpu.memory_space<any>>
          tpu.enqueue_dma source(%dma_start3A_108 : memref<1x4096xf32, #tpu.memory_space<any>>) target(%dma_start3A_106 : memref<1x4096xf32, #tpu.memory_space<vmem>>) target_semaphore(%arg11 : memref<!tpu.dma_semaphore, #tpu.memory_space<semaphore_mem>>)
          %mul3A_109 = arith.constant 8 : i32
          %mul3A_110 = arith.muli %add3A_87, %mul3A_109 : i32
          %add3A_111 = arith.constant 2 : i32
          %add3A_112 = arith.addi %mul3A_110, %add3A_111 : i32
          %get3A_113 = arith.index_cast %add3A_112 : i32 to index
          %get3A_114 = memref.load %arg1[%get3A_113] : memref<4224xi32, #tpu.memory_space<smem>>
          %dma_start3A_115 = arith.constant 2 : i32
          %dma_start3A_116 = arith.constant 0 : i32
          %dma_start3A_117 = tpu.memref_slice %arg8[%dma_start3A_115, %dma_start3A_116] : memref<8x4096xf32, #tpu.memory_space<vmem>> -> memref<1x4096xf32, #tpu.memory_space<vmem>>
          %dma_start3A_118 = arith.constant 0 : i32
          %dma_start3A_119 = tpu.memref_slice %arg5[%get3A_114, %dma_start3A_118] : memref<4096x4096xf32, #tpu.memory_space<any>> -> memref<1x4096xf32, #tpu.memory_space<any>>
          tpu.enqueue_dma source(%dma_start3A_119 : memref<1x4096xf32, #tpu.memory_space<any>>) target(%dma_start3A_117 : memref<1x4096xf32, #tpu.memory_space<vmem>>) target_semaphore(%arg11 : memref<!tpu.dma_semaphore, #tpu.memory_space<semaphore_mem>>)
          %mul3A_120 = arith.constant 8 : i32
          %mul3A_121 = arith.muli %add3A_87, %mul3A_120 : i32
          %add3A_122 = arith.constant 3 : i32
          %add3A_123 = arith.addi %mul3A_121, %add3A_122 : i32
          %get3A_124 = arith.index_cast %add3A_123 : i32 to index
          %get3A_125 = memref.load %arg1[%get3A_124] : memref<4224xi32, #tpu.memory_space<smem>>
          %dma_start3A_126 = arith.constant 3 : i32
          %dma_start3A_127 = arith.constant 0 : i32
          %dma_start3A_128 = tpu.memref_slice %arg8[%dma_start3A_126, %dma_start3A_127] : memref<8x4096xf32, #tpu.memory_space<vmem>> -> memref<1x4096xf32, #tpu.memory_space<vmem>>
          %dma_start3A_129 = arith.constant 0 : i32
          %dma_start3A_130 = tpu.memref_slice %arg5[%get3A_125, %dma_start3A_129] : memref<4096x4096xf32, #tpu.memory_space<any>> -> memref<1x4096xf32, #tpu.memory_space<any>>
          tpu.enqueue_dma source(%dma_start3A_130 : memref<1x4096xf32, #tpu.memory_space<any>>) target(%dma_start3A_128 : memref<1x4096xf32, #tpu.memory_space<vmem>>) target_semaphore(%arg11 : memref<!tpu.dma_semaphore, #tpu.memory_space<semaphore_mem>>)
          %mul3A_131 = arith.constant 8 : i32
          %mul3A_132 = arith.muli %add3A_87, %mul3A_131 : i32
          %add3A_133 = arith.constant 4 : i32
          %add3A_134 = arith.addi %mul3A_132, %add3A_133 : i32
          %get3A_135 = arith.index_cast %add3A_134 : i32 to index
          %get3A_136 = memref.load %arg1[%get3A_135] : memref<4224xi32, #tpu.memory_space<smem>>
          %dma_start3A_137 = arith.constant 4 : i32
          %dma_start3A_138 = arith.constant 0 : i32
          %dma_start3A_139 = tpu.memref_slice %arg8[%dma_start3A_137, %dma_start3A_138] : memref<8x4096xf32, #tpu.memory_space<vmem>> -> memref<1x4096xf32, #tpu.memory_space<vmem>>
          %dma_start3A_140 = arith.constant 0 : i32
          %dma_start3A_141 = tpu.memref_slice %arg5[%get3A_136, %dma_start3A_140] : memref<4096x4096xf32, #tpu.memory_space<any>> -> memref<1x4096xf32, #tpu.memory_space<any>>
          tpu.enqueue_dma source(%dma_start3A_141 : memref<1x4096xf32, #tpu.memory_space<any>>) target(%dma_start3A_139 : memref<1x4096xf32, #tpu.memory_space<vmem>>) target_semaphore(%arg11 : memref<!tpu.dma_semaphore, #tpu.memory_space<semaphore_mem>>)
          %mul3A_142 = arith.constant 8 : i32
          %mul3A_143 = arith.muli %add3A_87, %mul3A_142 : i32
          %add3A_144 = arith.constant 5 : i32
          %add3A_145 = arith.addi %mul3A_143, %add3A_144 : i32
          %get3A_146 = arith.index_cast %add3A_145 : i32 to index
          %get3A_147 = memref.load %arg1[%get3A_146] : memref<4224xi32, #tpu.memory_space<smem>>
          %dma_start3A_148 = arith.constant 5 : i32
          %dma_start3A_149 = arith.constant 0 : i32
          %dma_start3A_150 = tpu.memref_slice %arg8[%dma_start3A_148, %dma_start3A_149] : memref<8x4096xf32, #tpu.memory_space<vmem>> -> memref<1x4096xf32, #tpu.memory_space<vmem>>
          %dma_start3A_151 = arith.constant 0 : i32
          %dma_start3A_152 = tpu.memref_slice %arg5[%get3A_147, %dma_start3A_151] : memref<4096x4096xf32, #tpu.memory_space<any>> -> memref<1x4096xf32, #tpu.memory_space<any>>
          tpu.enqueue_dma source(%dma_start3A_152 : memref<1x4096xf32, #tpu.memory_space<any>>) target(%dma_start3A_150 : memref<1x4096xf32, #tpu.memory_space<vmem>>) target_semaphore(%arg11 : memref<!tpu.dma_semaphore, #tpu.memory_space<semaphore_mem>>)
          %mul3A_153 = arith.constant 8 : i32
          %mul3A_154 = arith.muli %add3A_87, %mul3A_153 : i32
          %add3A_155 = arith.constant 6 : i32
          %add3A_156 = arith.addi %mul3A_154, %add3A_155 : i32
          %get3A_157 = arith.index_cast %add3A_156 : i32 to index
          %get3A_158 = memref.load %arg1[%get3A_157] : memref<4224xi32, #tpu.memory_space<smem>>
          %dma_start3A_159 = arith.constant 6 : i32
          %dma_start3A_160 = arith.constant 0 : i32
          %dma_start3A_161 = tpu.memref_slice %arg8[%dma_start3A_159, %dma_start3A_160] : memref<8x4096xf32, #tpu.memory_space<vmem>> -> memref<1x4096xf32, #tpu.memory_space<vmem>>
          %dma_start3A_162 = arith.constant 0 : i32
          %dma_start3A_163 = tpu.memref_slice %arg5[%get3A_158, %dma_start3A_162] : memref<4096x4096xf32, #tpu.memory_space<any>> -> memref<1x4096xf32, #tpu.memory_space<any>>
          tpu.enqueue_dma source(%dma_start3A_163 : memref<1x4096xf32, #tpu.memory_space<any>>) target(%dma_start3A_161 : memref<1x4096xf32, #tpu.memory_space<vmem>>) target_semaphore(%arg11 : memref<!tpu.dma_semaphore, #tpu.memory_space<semaphore_mem>>)
          %mul3A_164 = arith.constant 8 : i32
          %mul3A_165 = arith.muli %add3A_87, %mul3A_164 : i32
          %add3A_166 = arith.constant 7 : i32
          %add3A_167 = arith.addi %mul3A_165, %add3A_166 : i32
          %get3A_168 = arith.index_cast %add3A_167 : i32 to index
          %get3A_169 = memref.load %arg1[%get3A_168] : memref<4224xi32, #tpu.memory_space<smem>>
          %dma_start3A_170 = arith.constant 7 : i32
          %dma_start3A_171 = arith.constant 0 : i32
          %dma_start3A_172 = tpu.memref_slice %arg8[%dma_start3A_170, %dma_start3A_171] : memref<8x4096xf32, #tpu.memory_space<vmem>> -> memref<1x4096xf32, #tpu.memory_space<vmem>>
          %dma_start3A_173 = arith.constant 0 : i32
          %dma_start3A_174 = tpu.memref_slice %arg5[%get3A_169, %dma_start3A_173] : memref<4096x4096xf32, #tpu.memory_space<any>> -> memref<1x4096xf32, #tpu.memory_space<any>>
          tpu.enqueue_dma source(%dma_start3A_174 : memref<1x4096xf32, #tpu.memory_space<any>>) target(%dma_start3A_172 : memref<1x4096xf32, #tpu.memory_space<vmem>>) target_semaphore(%arg11 : memref<!tpu.dma_semaphore, #tpu.memory_space<semaphore_mem>>)
        } else {
        }
        %not3A_81 = arith.constant true
        %not3A_82 = arith.xori %eq3A_55, %not3A_81 : i1
        %convert_element_type3A_83 = arith.extui %not3A_82 : i1 to i32
        %cond3A_84 = arith.constant 0 : i32
        %cond3A_85 = arith.cmpi ne, %convert_element_type3A_83, %cond3A_84 : i32
        scf.if %cond3A_85 {
          %add3A_86 = arith.constant 1 : i32
          %add3A_87 = arith.addi %while3A_52, %add3A_86 : i32
          %mul3A_88 = arith.constant 8 : i32
          %mul3A_89 = arith.muli %add3A_87, %mul3A_88 : i32
          %add3A_90 = arith.constant 0 : i32
          %add3A_91 = arith.addi %mul3A_89, %add3A_90 : i32
          %get3A_92 = arith.index_cast %add3A_91 : i32 to index
          %get3A_93 = memref.load %arg1[%get3A_92] : memref<4224xi32, #tpu.memory_space<smem>>
          %dma_start3A = arith.constant 0 : i32
          %dma_start3A_94 = arith.constant 0 : i32
          %dma_start3A_95 = tpu.memref_slice %arg7[%dma_start3A, %dma_start3A_94] : memref<8x4096xf32, #tpu.memory_space<vmem>> -> memref<1x4096xf32, #tpu.memory_space<vmem>>
          %dma_start3A_96 = arith.constant 0 : i32
          %dma_start3A_97 = tpu.memref_slice %arg5[%get3A_93, %dma_start3A_96] : memref<4096x4096xf32, #tpu.memory_space<any>> -> memref<1x4096xf32, #tpu.memory_space<any>>
          tpu.enqueue_dma source(%dma_start3A_97 : memref<1x4096xf32, #tpu.memory_space<any>>) target(%dma_start3A_95 : memref<1x4096xf32, #tpu.memory_space<vmem>>) target_semaphore(%arg10 : memref<!tpu.dma_semaphore, #tpu.memory_space<semaphore_mem>>)
          %mul3A_98 = arith.constant 8 : i32
          %mul3A_99 = arith.muli %add3A_87, %mul3A_98 : i32
          %add3A_100 = arith.constant 1 : i32
          %add3A_101 = arith.addi %mul3A_99, %add3A_100 : i32
          %get3A_102 = arith.index_cast %add3A_101 : i32 to index
          %get3A_103 = memref.load %arg1[%get3A_102] : memref<4224xi32, #tpu.memory_space<smem>>
          %dma_start3A_104 = arith.constant 1 : i32
          %dma_start3A_105 = arith.constant 0 : i32
          %dma_start3A_106 = tpu.memref_slice %arg7[%dma_start3A_104, %dma_start3A_105] : memref<8x4096xf32, #tpu.memory_space<vmem>> -> memref<1x4096xf32, #tpu.memory_space<vmem>>
          %dma_start3A_107 = arith.constant 0 : i32
          %dma_start3A_108 = tpu.memref_slice %arg5[%get3A_103, %dma_start3A_107] : memref<4096x4096xf32, #tpu.memory_space<any>> -> memref<1x4096xf32, #tpu.memory_space<any>>
          tpu.enqueue_dma source(%dma_start3A_108 : memref<1x4096xf32, #tpu.memory_space<any>>) target(%dma_start3A_106 : memref<1x4096xf32, #tpu.memory_space<vmem>>) target_semaphore(%arg10 : memref<!tpu.dma_semaphore, #tpu.memory_space<semaphore_mem>>)
          %mul3A_109 = arith.constant 8 : i32
          %mul3A_110 = arith.muli %add3A_87, %mul3A_109 : i32
          %add3A_111 = arith.constant 2 : i32
          %add3A_112 = arith.addi %mul3A_110, %add3A_111 : i32
          %get3A_113 = arith.index_cast %add3A_112 : i32 to index
          %get3A_114 = memref.load %arg1[%get3A_113] : memref<4224xi32, #tpu.memory_space<smem>>
          %dma_start3A_115 = arith.constant 2 : i32
          %dma_start3A_116 = arith.constant 0 : i32
          %dma_start3A_117 = tpu.memref_slice %arg7[%dma_start3A_115, %dma_start3A_116] : memref<8x4096xf32, #tpu.memory_space<vmem>> -> memref<1x4096xf32, #tpu.memory_space<vmem>>
          %dma_start3A_118 = arith.constant 0 : i32
          %dma_start3A_119 = tpu.memref_slice %arg5[%get3A_114, %dma_start3A_118] : memref<4096x4096xf32, #tpu.memory_space<any>> -> memref<1x4096xf32, #tpu.memory_space<any>>
          tpu.enqueue_dma source(%dma_start3A_119 : memref<1x4096xf32, #tpu.memory_space<any>>) target(%dma_start3A_117 : memref<1x4096xf32, #tpu.memory_space<vmem>>) target_semaphore(%arg10 : memref<!tpu.dma_semaphore, #tpu.memory_space<semaphore_mem>>)
          %mul3A_120 = arith.constant 8 : i32
          %mul3A_121 = arith.muli %add3A_87, %mul3A_120 : i32
          %add3A_122 = arith.constant 3 : i32
          %add3A_123 = arith.addi %mul3A_121, %add3A_122 : i32
          %get3A_124 = arith.index_cast %add3A_123 : i32 to index
          %get3A_125 = memref.load %arg1[%get3A_124] : memref<4224xi32, #tpu.memory_space<smem>>
          %dma_start3A_126 = arith.constant 3 : i32
          %dma_start3A_127 = arith.constant 0 : i32
          %dma_start3A_128 = tpu.memref_slice %arg7[%dma_start3A_126, %dma_start3A_127] : memref<8x4096xf32, #tpu.memory_space<vmem>> -> memref<1x4096xf32, #tpu.memory_space<vmem>>
          %dma_start3A_129 = arith.constant 0 : i32
          %dma_start3A_130 = tpu.memref_slice %arg5[%get3A_125, %dma_start3A_129] : memref<4096x4096xf32, #tpu.memory_space<any>> -> memref<1x4096xf32, #tpu.memory_space<any>>
          tpu.enqueue_dma source(%dma_start3A_130 : memref<1x4096xf32, #tpu.memory_space<any>>) target(%dma_start3A_128 : memref<1x4096xf32, #tpu.memory_space<vmem>>) target_semaphore(%arg10 : memref<!tpu.dma_semaphore, #tpu.memory_space<semaphore_mem>>)
          %mul3A_131 = arith.constant 8 : i32
          %mul3A_132 = arith.muli %add3A_87, %mul3A_131 : i32
          %add3A_133 = arith.constant 4 : i32
          %add3A_134 = arith.addi %mul3A_132, %add3A_133 : i32
          %get3A_135 = arith.index_cast %add3A_134 : i32 to index
          %get3A_136 = memref.load %arg1[%get3A_135] : memref<4224xi32, #tpu.memory_space<smem>>
          %dma_start3A_137 = arith.constant 4 : i32
          %dma_start3A_138 = arith.constant 0 : i32
          %dma_start3A_139 = tpu.memref_slice %arg7[%dma_start3A_137, %dma_start3A_138] : memref<8x4096xf32, #tpu.memory_space<vmem>> -> memref<1x4096xf32, #tpu.memory_space<vmem>>
          %dma_start3A_140 = arith.constant 0 : i32
          %dma_start3A_141 = tpu.memref_slice %arg5[%get3A_136, %dma_start3A_140] : memref<4096x4096xf32, #tpu.memory_space<any>> -> memref<1x4096xf32, #tpu.memory_space<any>>
          tpu.enqueue_dma source(%dma_start3A_141 : memref<1x4096xf32, #tpu.memory_space<any>>) target(%dma_start3A_139 : memref<1x4096xf32, #tpu.memory_space<vmem>>) target_semaphore(%arg10 : memref<!tpu.dma_semaphore, #tpu.memory_space<semaphore_mem>>)
          %mul3A_142 = arith.constant 8 : i32
          %mul3A_143 = arith.muli %add3A_87, %mul3A_142 : i32
          %add3A_144 = arith.constant 5 : i32
          %add3A_145 = arith.addi %mul3A_143, %add3A_144 : i32
          %get3A_146 = arith.index_cast %add3A_145 : i32 to index
          %get3A_147 = memref.load %arg1[%get3A_146] : memref<4224xi32, #tpu.memory_space<smem>>
          %dma_start3A_148 = arith.constant 5 : i32
          %dma_start3A_149 = arith.constant 0 : i32
          %dma_start3A_150 = tpu.memref_slice %arg7[%dma_start3A_148, %dma_start3A_149] : memref<8x4096xf32, #tpu.memory_space<vmem>> -> memref<1x4096xf32, #tpu.memory_space<vmem>>
          %dma_start3A_151 = arith.constant 0 : i32
          %dma_start3A_152 = tpu.memref_slice %arg5[%get3A_147, %dma_start3A_151] : memref<4096x4096xf32, #tpu.memory_space<any>> -> memref<1x4096xf32, #tpu.memory_space<any>>
          tpu.enqueue_dma source(%dma_start3A_152 : memref<1x4096xf32, #tpu.memory_space<any>>) target(%dma_start3A_150 : memref<1x4096xf32, #tpu.memory_space<vmem>>) target_semaphore(%arg10 : memref<!tpu.dma_semaphore, #tpu.memory_space<semaphore_mem>>)
          %mul3A_153 = arith.constant 8 : i32
          %mul3A_154 = arith.muli %add3A_87, %mul3A_153 : i32
          %add3A_155 = arith.constant 6 : i32
          %add3A_156 = arith.addi %mul3A_154, %add3A_155 : i32
          %get3A_157 = arith.index_cast %add3A_156 : i32 to index
          %get3A_158 = memref.load %arg1[%get3A_157] : memref<4224xi32, #tpu.memory_space<smem>>
          %dma_start3A_159 = arith.constant 6 : i32
          %dma_start3A_160 = arith.constant 0 : i32
          %dma_start3A_161 = tpu.memref_slice %arg7[%dma_start3A_159, %dma_start3A_160] : memref<8x4096xf32, #tpu.memory_space<vmem>> -> memref<1x4096xf32, #tpu.memory_space<vmem>>
          %dma_start3A_162 = arith.constant 0 : i32
          %dma_start3A_163 = tpu.memref_slice %arg5[%get3A_158, %dma_start3A_162] : memref<4096x4096xf32, #tpu.memory_space<any>> -> memref<1x4096xf32, #tpu.memory_space<any>>
          tpu.enqueue_dma source(%dma_start3A_163 : memref<1x4096xf32, #tpu.memory_space<any>>) target(%dma_start3A_161 : memref<1x4096xf32, #tpu.memory_space<vmem>>) target_semaphore(%arg10 : memref<!tpu.dma_semaphore, #tpu.memory_space<semaphore_mem>>)
          %mul3A_164 = arith.constant 8 : i32
          %mul3A_165 = arith.muli %add3A_87, %mul3A_164 : i32
          %add3A_166 = arith.constant 7 : i32
          %add3A_167 = arith.addi %mul3A_165, %add3A_166 : i32
          %get3A_168 = arith.index_cast %add3A_167 : i32 to index
          %get3A_169 = memref.load %arg1[%get3A_168] : memref<4224xi32, #tpu.memory_space<smem>>
          %dma_start3A_170 = arith.constant 7 : i32
          %dma_start3A_171 = arith.constant 0 : i32
          %dma_start3A_172 = tpu.memref_slice %arg7[%dma_start3A_170, %dma_start3A_171] : memref<8x4096xf32, #tpu.memory_space<vmem>> -> memref<1x4096xf32, #tpu.memory_space<vmem>>
          %dma_start3A_173 = arith.constant 0 : i32
          %dma_start3A_174 = tpu.memref_slice %arg5[%get3A_169, %dma_start3A_173] : memref<4096x4096xf32, #tpu.memory_space<any>> -> memref<1x4096xf32, #tpu.memory_space<any>>
          tpu.enqueue_dma source(%dma_start3A_174 : memref<1x4096xf32, #tpu.memory_space<any>>) target(%dma_start3A_172 : memref<1x4096xf32, #tpu.memory_space<vmem>>) target_semaphore(%arg10 : memref<!tpu.dma_semaphore, #tpu.memory_space<semaphore_mem>>)
        } else {
        }
      } else {
      }
      %iota3A = tpu.iota {dimensions = array<i32: 0>} : vector<8x1xi32>
      %mul3A = arith.constant 8 : i32
      %mul3A_61 = arith.muli %while3A_52, %mul3A : i32
      %add3A_62 = vector.broadcast %mul3A_61 : i32 to vector<8x1xi32>
      %add3A_63 = arith.addi %iota3A, %add3A_62 : vector<8x1xi32>
      %lt3A_64 = vector.broadcast %get3A_0 : i32 to vector<8x1xi32>
      %lt3A_65 = arith.cmpi slt, %add3A_63, %lt3A_64 : vector<8x1xi32>
      %jit3A_66 = arith.constant 1.000000e+00 : f32
      %jit3A_67 = arith.constant 0.000000e+00 : f32
      %broadcast_in_dim3A_68 = vector.broadcast %jit3A_66 : f32 to vector<8x1xf32>
      %broadcast_in_dim3A_69 = vector.broadcast %jit3A_67 : f32 to vector<8x1xf32>
      %select_n3A_70 = arith.select %lt3A_65, %broadcast_in_dim3A_68, %broadcast_in_dim3A_69 : vector<8x1xi1>, vector<8x1xf32>
      %convert_element_type3A_71 = arith.extui %eq3A_55 : i1 to i32
      %cond3A_72 = arith.constant 0 : i32
      %cond3A_73 = arith.cmpi ne, %convert_element_type3A_71, %cond3A_72 : i32
      scf.if %cond3A_73 {
        %dma_wait3A = arith.constant 0 : i32
        %dma_wait3A_78 = arith.constant 0 : i32
        %dma_wait3A_79 = tpu.memref_slice %arg7[%dma_wait3A, %dma_wait3A_78] : memref<8x4096xf32, #tpu.memory_space<vmem>> -> memref<1x4096xf32, #tpu.memory_space<vmem>>
        %dma_wait3A_80 = arith.constant 0 : i32
        %dma_wait3A_81 = arith.constant 0 : i32
        %dma_wait3A_82 = tpu.memref_slice %arg5[%dma_wait3A_80, %dma_wait3A_81] : memref<4096x4096xf32, #tpu.memory_space<any>> -> memref<1x4096xf32, #tpu.memory_space<any>>
        tpu.wait_dma2 semaphore(%arg10 : memref<!tpu.dma_semaphore, #tpu.memory_space<semaphore_mem>>) src(%dma_wait3A_82 : memref<1x4096xf32, #tpu.memory_space<any>>) dst(%dma_wait3A_79 : memref<1x4096xf32, #tpu.memory_space<vmem>>)
        %dma_wait3A_83 = arith.constant 1 : i32
        %dma_wait3A_84 = arith.constant 0 : i32
        %dma_wait3A_85 = tpu.memref_slice %arg7[%dma_wait3A_83, %dma_wait3A_84] : memref<8x4096xf32, #tpu.memory_space<vmem>> -> memref<1x4096xf32, #tpu.memory_space<vmem>>
        %dma_wait3A_86 = arith.constant 0 : i32
        %dma_wait3A_87 = arith.constant 0 : i32
        %dma_wait3A_88 = tpu.memref_slice %arg5[%dma_wait3A_86, %dma_wait3A_87] : memref<4096x4096xf32, #tpu.memory_space<any>> -> memref<1x4096xf32, #tpu.memory_space<any>>
        tpu.wait_dma2 semaphore(%arg10 : memref<!tpu.dma_semaphore, #tpu.memory_space<semaphore_mem>>) src(%dma_wait3A_88 : memref<1x4096xf32, #tpu.memory_space<any>>) dst(%dma_wait3A_85 : memref<1x4096xf32, #tpu.memory_space<vmem>>)
        %dma_wait3A_89 = arith.constant 2 : i32
        %dma_wait3A_90 = arith.constant 0 : i32
        %dma_wait3A_91 = tpu.memref_slice %arg7[%dma_wait3A_89, %dma_wait3A_90] : memref<8x4096xf32, #tpu.memory_space<vmem>> -> memref<1x4096xf32, #tpu.memory_space<vmem>>
        %dma_wait3A_92 = arith.constant 0 : i32
        %dma_wait3A_93 = arith.constant 0 : i32
        %dma_wait3A_94 = tpu.memref_slice %arg5[%dma_wait3A_92, %dma_wait3A_93] : memref<4096x4096xf32, #tpu.memory_space<any>> -> memref<1x4096xf32, #tpu.memory_space<any>>
        tpu.wait_dma2 semaphore(%arg10 : memref<!tpu.dma_semaphore, #tpu.memory_space<semaphore_mem>>) src(%dma_wait3A_94 : memref<1x4096xf32, #tpu.memory_space<any>>) dst(%dma_wait3A_91 : memref<1x4096xf32, #tpu.memory_space<vmem>>)
        %dma_wait3A_95 = arith.constant 3 : i32
        %dma_wait3A_96 = arith.constant 0 : i32
        %dma_wait3A_97 = tpu.memref_slice %arg7[%dma_wait3A_95, %dma_wait3A_96] : memref<8x4096xf32, #tpu.memory_space<vmem>> -> memref<1x4096xf32, #tpu.memory_space<vmem>>
        %dma_wait3A_98 = arith.constant 0 : i32
        %dma_wait3A_99 = arith.constant 0 : i32
        %dma_wait3A_100 = tpu.memref_slice %arg5[%dma_wait3A_98, %dma_wait3A_99] : memref<4096x4096xf32, #tpu.memory_space<any>> -> memref<1x4096xf32, #tpu.memory_space<any>>
        tpu.wait_dma2 semaphore(%arg10 : memref<!tpu.dma_semaphore, #tpu.memory_space<semaphore_mem>>) src(%dma_wait3A_100 : memref<1x4096xf32, #tpu.memory_space<any>>) dst(%dma_wait3A_97 : memref<1x4096xf32, #tpu.memory_space<vmem>>)
        %dma_wait3A_101 = arith.constant 4 : i32
        %dma_wait3A_102 = arith.constant 0 : i32
        %dma_wait3A_103 = tpu.memref_slice %arg7[%dma_wait3A_101, %dma_wait3A_102] : memref<8x4096xf32, #tpu.memory_space<vmem>> -> memref<1x4096xf32, #tpu.memory_space<vmem>>
        %dma_wait3A_104 = arith.constant 0 : i32
        %dma_wait3A_105 = arith.constant 0 : i32
        %dma_wait3A_106 = tpu.memref_slice %arg5[%dma_wait3A_104, %dma_wait3A_105] : memref<4096x4096xf32, #tpu.memory_space<any>> -> memref<1x4096xf32, #tpu.memory_space<any>>
        tpu.wait_dma2 semaphore(%arg10 : memref<!tpu.dma_semaphore, #tpu.memory_space<semaphore_mem>>) src(%dma_wait3A_106 : memref<1x4096xf32, #tpu.memory_space<any>>) dst(%dma_wait3A_103 : memref<1x4096xf32, #tpu.memory_space<vmem>>)
        %dma_wait3A_107 = arith.constant 5 : i32
        %dma_wait3A_108 = arith.constant 0 : i32
        %dma_wait3A_109 = tpu.memref_slice %arg7[%dma_wait3A_107, %dma_wait3A_108] : memref<8x4096xf32, #tpu.memory_space<vmem>> -> memref<1x4096xf32, #tpu.memory_space<vmem>>
        %dma_wait3A_110 = arith.constant 0 : i32
        %dma_wait3A_111 = arith.constant 0 : i32
        %dma_wait3A_112 = tpu.memref_slice %arg5[%dma_wait3A_110, %dma_wait3A_111] : memref<4096x4096xf32, #tpu.memory_space<any>> -> memref<1x4096xf32, #tpu.memory_space<any>>
        tpu.wait_dma2 semaphore(%arg10 : memref<!tpu.dma_semaphore, #tpu.memory_space<semaphore_mem>>) src(%dma_wait3A_112 : memref<1x4096xf32, #tpu.memory_space<any>>) dst(%dma_wait3A_109 : memref<1x4096xf32, #tpu.memory_space<vmem>>)
        %dma_wait3A_113 = arith.constant 6 : i32
        %dma_wait3A_114 = arith.constant 0 : i32
        %dma_wait3A_115 = tpu.memref_slice %arg7[%dma_wait3A_113, %dma_wait3A_114] : memref<8x4096xf32, #tpu.memory_space<vmem>> -> memref<1x4096xf32, #tpu.memory_space<vmem>>
        %dma_wait3A_116 = arith.constant 0 : i32
        %dma_wait3A_117 = arith.constant 0 : i32
        %dma_wait3A_118 = tpu.memref_slice %arg5[%dma_wait3A_116, %dma_wait3A_117] : memref<4096x4096xf32, #tpu.memory_space<any>> -> memref<1x4096xf32, #tpu.memory_space<any>>
        tpu.wait_dma2 semaphore(%arg10 : memref<!tpu.dma_semaphore, #tpu.memory_space<semaphore_mem>>) src(%dma_wait3A_118 : memref<1x4096xf32, #tpu.memory_space<any>>) dst(%dma_wait3A_115 : memref<1x4096xf32, #tpu.memory_space<vmem>>)
        %dma_wait3A_119 = arith.constant 7 : i32
        %dma_wait3A_120 = arith.constant 0 : i32
        %dma_wait3A_121 = tpu.memref_slice %arg7[%dma_wait3A_119, %dma_wait3A_120] : memref<8x4096xf32, #tpu.memory_space<vmem>> -> memref<1x4096xf32, #tpu.memory_space<vmem>>
        %dma_wait3A_122 = arith.constant 0 : i32
        %dma_wait3A_123 = arith.constant 0 : i32
        %dma_wait3A_124 = tpu.memref_slice %arg5[%dma_wait3A_122, %dma_wait3A_123] : memref<4096x4096xf32, #tpu.memory_space<any>> -> memref<1x4096xf32, #tpu.memory_space<any>>
        tpu.wait_dma2 semaphore(%arg10 : memref<!tpu.dma_semaphore, #tpu.memory_space<semaphore_mem>>) src(%dma_wait3A_124 : memref<1x4096xf32, #tpu.memory_space<any>>) dst(%dma_wait3A_121 : memref<1x4096xf32, #tpu.memory_space<vmem>>)
        %get3A_125 = arith.constant 0 : index
        %get3A_126 = arith.constant 0 : index
        %get3A_127 = vector.load %arg9[%get3A_125, %get3A_126] : memref<8x4096xf32, #tpu.memory_space<vmem>>, vector<8x4096xf32>
        %get3A_128 = arith.constant 0 : index
        %get3A_129 = arith.constant 0 : index
        %get3A_130 = vector.load %arg7[%get3A_128, %get3A_129] : memref<8x4096xf32, #tpu.memory_space<vmem>>, vector<8x4096xf32>
        %mul3A_131 = vector.broadcast %select_n3A_70 : vector<8x1xf32> to vector<8x4096xf32>
        %mul3A_132 = arith.mulf %get3A_130, %mul3A_131 : vector<8x4096xf32>
        %add3A_133 = arith.addf %get3A_127, %mul3A_132 : vector<8x4096xf32>
        %swap3A_134 = arith.constant 0 : index
        %swap3A_135 = arith.constant 0 : index
        %swap3A_136 = vector.load %arg9[%swap3A_134, %swap3A_135] : memref<8x4096xf32, #tpu.memory_space<vmem>>, vector<8x4096xf32>
        tpu.vector_store %arg9[%swap3A_134, %swap3A_135], %add3A_133 {strides = array<i32>} : memref<8x4096xf32, #tpu.memory_space<vmem>>, vector<8x4096xf32>,
      } else {
      }
      %not3A = arith.constant true
      %not3A_74 = arith.xori %eq3A_55, %not3A : i1
      %convert_element_type3A_75 = arith.extui %not3A_74 : i1 to i32
      %cond3A_76 = arith.constant 0 : i32
      %cond3A_77 = arith.cmpi ne, %convert_element_type3A_75, %cond3A_76 : i32
      scf.if %cond3A_77 {
        %dma_wait3A = arith.constant 0 : i32
        %dma_wait3A_78 = arith.constant 0 : i32
        %dma_wait3A_79 = tpu.memref_slice %arg8[%dma_wait3A, %dma_wait3A_78] : memref<8x4096xf32, #tpu.memory_space<vmem>> -> memref<1x4096xf32, #tpu.memory_space<vmem>>
        %dma_wait3A_80 = arith.constant 0 : i32
        %dma_wait3A_81 = arith.constant 0 : i32
        %dma_wait3A_82 = tpu.memref_slice %arg5[%dma_wait3A_80, %dma_wait3A_81] : memref<4096x4096xf32, #tpu.memory_space<any>> -> memref<1x4096xf32, #tpu.memory_space<any>>
        tpu.wait_dma2 semaphore(%arg11 : memref<!tpu.dma_semaphore, #tpu.memory_space<semaphore_mem>>) src(%dma_wait3A_82 : memref<1x4096xf32, #tpu.memory_space<any>>) dst(%dma_wait3A_79 : memref<1x4096xf32, #tpu.memory_space<vmem>>)
        %dma_wait3A_83 = arith.constant 1 : i32
        %dma_wait3A_84 = arith.constant 0 : i32
        %dma_wait3A_85 = tpu.memref_slice %arg8[%dma_wait3A_83, %dma_wait3A_84] : memref<8x4096xf32, #tpu.memory_space<vmem>> -> memref<1x4096xf32, #tpu.memory_space<vmem>>
        %dma_wait3A_86 = arith.constant 0 : i32
        %dma_wait3A_87 = arith.constant 0 : i32
        %dma_wait3A_88 = tpu.memref_slice %arg5[%dma_wait3A_86, %dma_wait3A_87] : memref<4096x4096xf32, #tpu.memory_space<any>> -> memref<1x4096xf32, #tpu.memory_space<any>>
        tpu.wait_dma2 semaphore(%arg11 : memref<!tpu.dma_semaphore, #tpu.memory_space<semaphore_mem>>) src(%dma_wait3A_88 : memref<1x4096xf32, #tpu.memory_space<any>>) dst(%dma_wait3A_85 : memref<1x4096xf32, #tpu.memory_space<vmem>>)
        %dma_wait3A_89 = arith.constant 2 : i32
        %dma_wait3A_90 = arith.constant 0 : i32
        %dma_wait3A_91 = tpu.memref_slice %arg8[%dma_wait3A_89, %dma_wait3A_90] : memref<8x4096xf32, #tpu.memory_space<vmem>> -> memref<1x4096xf32, #tpu.memory_space<vmem>>
        %dma_wait3A_92 = arith.constant 0 : i32
        %dma_wait3A_93 = arith.constant 0 : i32
        %dma_wait3A_94 = tpu.memref_slice %arg5[%dma_wait3A_92, %dma_wait3A_93] : memref<4096x4096xf32, #tpu.memory_space<any>> -> memref<1x4096xf32, #tpu.memory_space<any>>
        tpu.wait_dma2 semaphore(%arg11 : memref<!tpu.dma_semaphore, #tpu.memory_space<semaphore_mem>>) src(%dma_wait3A_94 : memref<1x4096xf32, #tpu.memory_space<any>>) dst(%dma_wait3A_91 : memref<1x4096xf32, #tpu.memory_space<vmem>>)
        %dma_wait3A_95 = arith.constant 3 : i32
        %dma_wait3A_96 = arith.constant 0 : i32
        %dma_wait3A_97 = tpu.memref_slice %arg8[%dma_wait3A_95, %dma_wait3A_96] : memref<8x4096xf32, #tpu.memory_space<vmem>> -> memref<1x4096xf32, #tpu.memory_space<vmem>>
        %dma_wait3A_98 = arith.constant 0 : i32
        %dma_wait3A_99 = arith.constant 0 : i32
        %dma_wait3A_100 = tpu.memref_slice %arg5[%dma_wait3A_98, %dma_wait3A_99] : memref<4096x4096xf32, #tpu.memory_space<any>> -> memref<1x4096xf32, #tpu.memory_space<any>>
        tpu.wait_dma2 semaphore(%arg11 : memref<!tpu.dma_semaphore, #tpu.memory_space<semaphore_mem>>) src(%dma_wait3A_100 : memref<1x4096xf32, #tpu.memory_space<any>>) dst(%dma_wait3A_97 : memref<1x4096xf32, #tpu.memory_space<vmem>>)
        %dma_wait3A_101 = arith.constant 4 : i32
        %dma_wait3A_102 = arith.constant 0 : i32
        %dma_wait3A_103 = tpu.memref_slice %arg8[%dma_wait3A_101, %dma_wait3A_102] : memref<8x4096xf32, #tpu.memory_space<vmem>> -> memref<1x4096xf32, #tpu.memory_space<vmem>>
        %dma_wait3A_104 = arith.constant 0 : i32
        %dma_wait3A_105 = arith.constant 0 : i32
        %dma_wait3A_106 = tpu.memref_slice %arg5[%dma_wait3A_104, %dma_wait3A_105] : memref<4096x4096xf32, #tpu.memory_space<any>> -> memref<1x4096xf32, #tpu.memory_space<any>>
        tpu.wait_dma2 semaphore(%arg11 : memref<!tpu.dma_semaphore, #tpu.memory_space<semaphore_mem>>) src(%dma_wait3A_106 : memref<1x4096xf32, #tpu.memory_space<any>>) dst(%dma_wait3A_103 : memref<1x4096xf32, #tpu.memory_space<vmem>>)
        %dma_wait3A_107 = arith.constant 5 : i32
        %dma_wait3A_108 = arith.constant 0 : i32
        %dma_wait3A_109 = tpu.memref_slice %arg8[%dma_wait3A_107, %dma_wait3A_108] : memref<8x4096xf32, #tpu.memory_space<vmem>> -> memref<1x4096xf32, #tpu.memory_space<vmem>>
        %dma_wait3A_110 = arith.constant 0 : i32
        %dma_wait3A_111 = arith.constant 0 : i32
        %dma_wait3A_112 = tpu.memref_slice %arg5[%dma_wait3A_110, %dma_wait3A_111] : memref<4096x4096xf32, #tpu.memory_space<any>> -> memref<1x4096xf32, #tpu.memory_space<any>>
        tpu.wait_dma2 semaphore(%arg11 : memref<!tpu.dma_semaphore, #tpu.memory_space<semaphore_mem>>) src(%dma_wait3A_112 : memref<1x4096xf32, #tpu.memory_space<any>>) dst(%dma_wait3A_109 : memref<1x4096xf32, #tpu.memory_space<vmem>>)
        %dma_wait3A_113 = arith.constant 6 : i32
        %dma_wait3A_114 = arith.constant 0 : i32
        %dma_wait3A_115 = tpu.memref_slice %arg8[%dma_wait3A_113, %dma_wait3A_114] : memref<8x4096xf32, #tpu.memory_space<vmem>> -> memref<1x4096xf32, #tpu.memory_space<vmem>>
        %dma_wait3A_116 = arith.constant 0 : i32
        %dma_wait3A_117 = arith.constant 0 : i32
        %dma_wait3A_118 = tpu.memref_slice %arg5[%dma_wait3A_116, %dma_wait3A_117] : memref<4096x4096xf32, #tpu.memory_space<any>> -> memref<1x4096xf32, #tpu.memory_space<any>>
        tpu.wait_dma2 semaphore(%arg11 : memref<!tpu.dma_semaphore, #tpu.memory_space<semaphore_mem>>) src(%dma_wait3A_118 : memref<1x4096xf32, #tpu.memory_space<any>>) dst(%dma_wait3A_115 : memref<1x4096xf32, #tpu.memory_space<vmem>>)
        %dma_wait3A_119 = arith.constant 7 : i32
        %dma_wait3A_120 = arith.constant 0 : i32
        %dma_wait3A_121 = tpu.memref_slice %arg8[%dma_wait3A_119, %dma_wait3A_120] : memref<8x4096xf32, #tpu.memory_space<vmem>> -> memref<1x4096xf32, #tpu.memory_space<vmem>>
        %dma_wait3A_122 = arith.constant 0 : i32
        %dma_wait3A_123 = arith.constant 0 : i32
        %dma_wait3A_124 = tpu.memref_slice %arg5[%dma_wait3A_122, %dma_wait3A_123] : memref<4096x4096xf32, #tpu.memory_space<any>> -> memref<1x4096xf32, #tpu.memory_space<any>>
        tpu.wait_dma2 semaphore(%arg11 : memref<!tpu.dma_semaphore, #tpu.memory_space<semaphore_mem>>) src(%dma_wait3A_124 : memref<1x4096xf32, #tpu.memory_space<any>>) dst(%dma_wait3A_121 : memref<1x4096xf32, #tpu.memory_space<vmem>>)
        %get3A_125 = arith.constant 0 : index
        %get3A_126 = arith.constant 0 : index
        %get3A_127 = vector.load %arg9[%get3A_125, %get3A_126] : memref<8x4096xf32, #tpu.memory_space<vmem>>, vector<8x4096xf32>
        %get3A_128 = arith.constant 0 : index
        %get3A_129 = arith.constant 0 : index
        %get3A_130 = vector.load %arg8[%get3A_128, %get3A_129] : memref<8x4096xf32, #tpu.memory_space<vmem>>, vector<8x4096xf32>
        %mul3A_131 = vector.broadcast %select_n3A_70 : vector<8x1xf32> to vector<8x4096xf32>
        %mul3A_132 = arith.mulf %get3A_130, %mul3A_131 : vector<8x4096xf32>
        %add3A_133 = arith.addf %get3A_127, %mul3A_132 : vector<8x4096xf32>
        %swap3A_134 = arith.constant 0 : index
        %swap3A_135 = arith.constant 0 : index
        %swap3A_136 = vector.load %arg9[%swap3A_134, %swap3A_135] : memref<8x4096xf32, #tpu.memory_space<vmem>>, vector<8x4096xf32>
        tpu.vector_store %arg9[%swap3A_134, %swap3A_135], %add3A_133 {strides = array<i32>} : memref<8x4096xf32, #tpu.memory_space<vmem>>, vector<8x4096xf32>,
      } else {
      }
    }
    %while3A_33 = arith.constant 1 : i32
    scf.for %while3A_52 = %while3A_31 to %while3A_27 step %while3A_33  : i32 {
      %rem3A_53 = arith.constant 2 : i32
      %rem3A_54 = arith.remsi %while3A_52, %rem3A_53 : i32
      %eq3A = arith.constant 0 : i32
      %eq3A_55 = arith.cmpi eq, %rem3A_54, %eq3A : i32
      %add3A_56 = arith.constant 1 : i32
      %add3A_57 = arith.addi %while3A_52, %add3A_56 : i32
      %lt3A = arith.cmpi slt, %add3A_57, %select_n3A : i32
      %convert_element_type3A_58 = arith.extui %lt3A : i1 to i32
      %cond3A_59 = arith.constant 0 : i32
      %cond3A_60 = arith.cmpi ne, %convert_element_type3A_58, %cond3A_59 : i32
      scf.if %cond3A_60 {
        %convert_element_type3A_78 = arith.extui %eq3A_55 : i1 to i32
        %cond3A_79 = arith.constant 0 : i32
        %cond3A_80 = arith.cmpi ne, %convert_element_type3A_78, %cond3A_79 : i32
        scf.if %cond3A_80 {
          %add3A_86 = arith.constant 1 : i32
          %add3A_87 = arith.addi %while3A_52, %add3A_86 : i32
          %mul3A_88 = arith.constant 8 : i32
          %mul3A_89 = arith.muli %add3A_87, %mul3A_88 : i32
          %add3A_90 = arith.constant 0 : i32
          %add3A_91 = arith.addi %mul3A_89, %add3A_90 : i32
          %get3A_92 = arith.index_cast %add3A_91 : i32 to index
          %get3A_93 = memref.load %arg1[%get3A_92] : memref<4224xi32, #tpu.memory_space<smem>>
          %dma_start3A = arith.constant 0 : i32
          %dma_start3A_94 = arith.constant 0 : i32
          %dma_start3A_95 = tpu.memref_slice %arg8[%dma_start3A, %dma_start3A_94] : memref<8x4096xf32, #tpu.memory_space<vmem>> -> memref<1x4096xf32, #tpu.memory_space<vmem>>
          %dma_start3A_96 = arith.constant 0 : i32
          %dma_start3A_97 = tpu.memref_slice %arg5[%get3A_93, %dma_start3A_96] : memref<4096x4096xf32, #tpu.memory_space<any>> -> memref<1x4096xf32, #tpu.memory_space<any>>
          tpu.enqueue_dma source(%dma_start3A_97 : memref<1x4096xf32, #tpu.memory_space<any>>) target(%dma_start3A_95 : memref<1x4096xf32, #tpu.memory_space<vmem>>) target_semaphore(%arg11 : memref<!tpu.dma_semaphore, #tpu.memory_space<semaphore_mem>>)
          %mul3A_98 = arith.constant 8 : i32
          %mul3A_99 = arith.muli %add3A_87, %mul3A_98 : i32
          %add3A_100 = arith.constant 1 : i32
          %add3A_101 = arith.addi %mul3A_99, %add3A_100 : i32
          %get3A_102 = arith.index_cast %add3A_101 : i32 to index
          %get3A_103 = memref.load %arg1[%get3A_102] : memref<4224xi32, #tpu.memory_space<smem>>
          %dma_start3A_104 = arith.constant 1 : i32
          %dma_start3A_105 = arith.constant 0 : i32
          %dma_start3A_106 = tpu.memref_slice %arg8[%dma_start3A_104, %dma_start3A_105] : memref<8x4096xf32, #tpu.memory_space<vmem>> -> memref<1x4096xf32, #tpu.memory_space<vmem>>
          %dma_start3A_107 = arith.constant 0 : i32
          %dma_start3A_108 = tpu.memref_slice %arg5[%get3A_103, %dma_start3A_107] : memref<4096x4096xf32, #tpu.memory_space<any>> -> memref<1x4096xf32, #tpu.memory_space<any>>
          tpu.enqueue_dma source(%dma_start3A_108 : memref<1x4096xf32, #tpu.memory_space<any>>) target(%dma_start3A_106 : memref<1x4096xf32, #tpu.memory_space<vmem>>) target_semaphore(%arg11 : memref<!tpu.dma_semaphore, #tpu.memory_space<semaphore_mem>>)
          %mul3A_109 = arith.constant 8 : i32
          %mul3A_110 = arith.muli %add3A_87, %mul3A_109 : i32
          %add3A_111 = arith.constant 2 : i32
          %add3A_112 = arith.addi %mul3A_110, %add3A_111 : i32
          %get3A_113 = arith.index_cast %add3A_112 : i32 to index
          %get3A_114 = memref.load %arg1[%get3A_113] : memref<4224xi32, #tpu.memory_space<smem>>
          %dma_start3A_115 = arith.constant 2 : i32
          %dma_start3A_116 = arith.constant 0 : i32
          %dma_start3A_117 = tpu.memref_slice %arg8[%dma_start3A_115, %dma_start3A_116] : memref<8x4096xf32, #tpu.memory_space<vmem>> -> memref<1x4096xf32, #tpu.memory_space<vmem>>
          %dma_start3A_118 = arith.constant 0 : i32
          %dma_start3A_119 = tpu.memref_slice %arg5[%get3A_114, %dma_start3A_118] : memref<4096x4096xf32, #tpu.memory_space<any>> -> memref<1x4096xf32, #tpu.memory_space<any>>
          tpu.enqueue_dma source(%dma_start3A_119 : memref<1x4096xf32, #tpu.memory_space<any>>) target(%dma_start3A_117 : memref<1x4096xf32, #tpu.memory_space<vmem>>) target_semaphore(%arg11 : memref<!tpu.dma_semaphore, #tpu.memory_space<semaphore_mem>>)
          %mul3A_120 = arith.constant 8 : i32
          %mul3A_121 = arith.muli %add3A_87, %mul3A_120 : i32
          %add3A_122 = arith.constant 3 : i32
          %add3A_123 = arith.addi %mul3A_121, %add3A_122 : i32
          %get3A_124 = arith.index_cast %add3A_123 : i32 to index
          %get3A_125 = memref.load %arg1[%get3A_124] : memref<4224xi32, #tpu.memory_space<smem>>
          %dma_start3A_126 = arith.constant 3 : i32
          %dma_start3A_127 = arith.constant 0 : i32
          %dma_start3A_128 = tpu.memref_slice %arg8[%dma_start3A_126, %dma_start3A_127] : memref<8x4096xf32, #tpu.memory_space<vmem>> -> memref<1x4096xf32, #tpu.memory_space<vmem>>
          %dma_start3A_129 = arith.constant 0 : i32
          %dma_start3A_130 = tpu.memref_slice %arg5[%get3A_125, %dma_start3A_129] : memref<4096x4096xf32, #tpu.memory_space<any>> -> memref<1x4096xf32, #tpu.memory_space<any>>
          tpu.enqueue_dma source(%dma_start3A_130 : memref<1x4096xf32, #tpu.memory_space<any>>) target(%dma_start3A_128 : memref<1x4096xf32, #tpu.memory_space<vmem>>) target_semaphore(%arg11 : memref<!tpu.dma_semaphore, #tpu.memory_space<semaphore_mem>>)
          %mul3A_131 = arith.constant 8 : i32
          %mul3A_132 = arith.muli %add3A_87, %mul3A_131 : i32
          %add3A_133 = arith.constant 4 : i32
          %add3A_134 = arith.addi %mul3A_132, %add3A_133 : i32
          %get3A_135 = arith.index_cast %add3A_134 : i32 to index
          %get3A_136 = memref.load %arg1[%get3A_135] : memref<4224xi32, #tpu.memory_space<smem>>
          %dma_start3A_137 = arith.constant 4 : i32
          %dma_start3A_138 = arith.constant 0 : i32
          %dma_start3A_139 = tpu.memref_slice %arg8[%dma_start3A_137, %dma_start3A_138] : memref<8x4096xf32, #tpu.memory_space<vmem>> -> memref<1x4096xf32, #tpu.memory_space<vmem>>
          %dma_start3A_140 = arith.constant 0 : i32
          %dma_start3A_141 = tpu.memref_slice %arg5[%get3A_136, %dma_start3A_140] : memref<4096x4096xf32, #tpu.memory_space<any>> -> memref<1x4096xf32, #tpu.memory_space<any>>
          tpu.enqueue_dma source(%dma_start3A_141 : memref<1x4096xf32, #tpu.memory_space<any>>) target(%dma_start3A_139 : memref<1x4096xf32, #tpu.memory_space<vmem>>) target_semaphore(%arg11 : memref<!tpu.dma_semaphore, #tpu.memory_space<semaphore_mem>>)
          %mul3A_142 = arith.constant 8 : i32
          %mul3A_143 = arith.muli %add3A_87, %mul3A_142 : i32
          %add3A_144 = arith.constant 5 : i32
          %add3A_145 = arith.addi %mul3A_143, %add3A_144 : i32
          %get3A_146 = arith.index_cast %add3A_145 : i32 to index
          %get3A_147 = memref.load %arg1[%get3A_146] : memref<4224xi32, #tpu.memory_space<smem>>
          %dma_start3A_148 = arith.constant 5 : i32
          %dma_start3A_149 = arith.constant 0 : i32
          %dma_start3A_150 = tpu.memref_slice %arg8[%dma_start3A_148, %dma_start3A_149] : memref<8x4096xf32, #tpu.memory_space<vmem>> -> memref<1x4096xf32, #tpu.memory_space<vmem>>
          %dma_start3A_151 = arith.constant 0 : i32
          %dma_start3A_152 = tpu.memref_slice %arg5[%get3A_147, %dma_start3A_151] : memref<4096x4096xf32, #tpu.memory_space<any>> -> memref<1x4096xf32, #tpu.memory_space<any>>
          tpu.enqueue_dma source(%dma_start3A_152 : memref<1x4096xf32, #tpu.memory_space<any>>) target(%dma_start3A_150 : memref<1x4096xf32, #tpu.memory_space<vmem>>) target_semaphore(%arg11 : memref<!tpu.dma_semaphore, #tpu.memory_space<semaphore_mem>>)
          %mul3A_153 = arith.constant 8 : i32
          %mul3A_154 = arith.muli %add3A_87, %mul3A_153 : i32
          %add3A_155 = arith.constant 6 : i32
          %add3A_156 = arith.addi %mul3A_154, %add3A_155 : i32
          %get3A_157 = arith.index_cast %add3A_156 : i32 to index
          %get3A_158 = memref.load %arg1[%get3A_157] : memref<4224xi32, #tpu.memory_space<smem>>
          %dma_start3A_159 = arith.constant 6 : i32
          %dma_start3A_160 = arith.constant 0 : i32
          %dma_start3A_161 = tpu.memref_slice %arg8[%dma_start3A_159, %dma_start3A_160] : memref<8x4096xf32, #tpu.memory_space<vmem>> -> memref<1x4096xf32, #tpu.memory_space<vmem>>
          %dma_start3A_162 = arith.constant 0 : i32
          %dma_start3A_163 = tpu.memref_slice %arg5[%get3A_158, %dma_start3A_162] : memref<4096x4096xf32, #tpu.memory_space<any>> -> memref<1x4096xf32, #tpu.memory_space<any>>
          tpu.enqueue_dma source(%dma_start3A_163 : memref<1x4096xf32, #tpu.memory_space<any>>) target(%dma_start3A_161 : memref<1x4096xf32, #tpu.memory_space<vmem>>) target_semaphore(%arg11 : memref<!tpu.dma_semaphore, #tpu.memory_space<semaphore_mem>>)
          %mul3A_164 = arith.constant 8 : i32
          %mul3A_165 = arith.muli %add3A_87, %mul3A_164 : i32
          %add3A_166 = arith.constant 7 : i32
          %add3A_167 = arith.addi %mul3A_165, %add3A_166 : i32
          %get3A_168 = arith.index_cast %add3A_167 : i32 to index
          %get3A_169 = memref.load %arg1[%get3A_168] : memref<4224xi32, #tpu.memory_space<smem>>
          %dma_start3A_170 = arith.constant 7 : i32
          %dma_start3A_171 = arith.constant 0 : i32
          %dma_start3A_172 = tpu.memref_slice %arg8[%dma_start3A_170, %dma_start3A_171] : memref<8x4096xf32, #tpu.memory_space<vmem>> -> memref<1x4096xf32, #tpu.memory_space<vmem>>
          %dma_start3A_173 = arith.constant 0 : i32
          %dma_start3A_174 = tpu.memref_slice %arg5[%get3A_169, %dma_start3A_173] : memref<4096x4096xf32, #tpu.memory_space<any>> -> memref<1x4096xf32, #tpu.memory_space<any>>
          tpu.enqueue_dma source(%dma_start3A_174 : memref<1x4096xf32, #tpu.memory_space<any>>) target(%dma_start3A_172 : memref<1x4096xf32, #tpu.memory_space<vmem>>) target_semaphore(%arg11 : memref<!tpu.dma_semaphore, #tpu.memory_space<semaphore_mem>>)
        } else {
        }
        %not3A_81 = arith.constant true
        %not3A_82 = arith.xori %eq3A_55, %not3A_81 : i1
        %convert_element_type3A_83 = arith.extui %not3A_82 : i1 to i32
        %cond3A_84 = arith.constant 0 : i32
        %cond3A_85 = arith.cmpi ne, %convert_element_type3A_83, %cond3A_84 : i32
        scf.if %cond3A_85 {
          %add3A_86 = arith.constant 1 : i32
          %add3A_87 = arith.addi %while3A_52, %add3A_86 : i32
          %mul3A_88 = arith.constant 8 : i32
          %mul3A_89 = arith.muli %add3A_87, %mul3A_88 : i32
          %add3A_90 = arith.constant 0 : i32
          %add3A_91 = arith.addi %mul3A_89, %add3A_90 : i32
          %get3A_92 = arith.index_cast %add3A_91 : i32 to index
          %get3A_93 = memref.load %arg1[%get3A_92] : memref<4224xi32, #tpu.memory_space<smem>>
          %dma_start3A = arith.constant 0 : i32
          %dma_start3A_94 = arith.constant 0 : i32
          %dma_start3A_95 = tpu.memref_slice %arg7[%dma_start3A, %dma_start3A_94] : memref<8x4096xf32, #tpu.memory_space<vmem>> -> memref<1x4096xf32, #tpu.memory_space<vmem>>
          %dma_start3A_96 = arith.constant 0 : i32
          %dma_start3A_97 = tpu.memref_slice %arg5[%get3A_93, %dma_start3A_96] : memref<4096x4096xf32, #tpu.memory_space<any>> -> memref<1x4096xf32, #tpu.memory_space<any>>
          tpu.enqueue_dma source(%dma_start3A_97 : memref<1x4096xf32, #tpu.memory_space<any>>) target(%dma_start3A_95 : memref<1x4096xf32, #tpu.memory_space<vmem>>) target_semaphore(%arg10 : memref<!tpu.dma_semaphore, #tpu.memory_space<semaphore_mem>>)
          %mul3A_98 = arith.constant 8 : i32
          %mul3A_99 = arith.muli %add3A_87, %mul3A_98 : i32
          %add3A_100 = arith.constant 1 : i32
          %add3A_101 = arith.addi %mul3A_99, %add3A_100 : i32
          %get3A_102 = arith.index_cast %add3A_101 : i32 to index
          %get3A_103 = memref.load %arg1[%get3A_102] : memref<4224xi32, #tpu.memory_space<smem>>
          %dma_start3A_104 = arith.constant 1 : i32
          %dma_start3A_105 = arith.constant 0 : i32
          %dma_start3A_106 = tpu.memref_slice %arg7[%dma_start3A_104, %dma_start3A_105] : memref<8x4096xf32, #tpu.memory_space<vmem>> -> memref<1x4096xf32, #tpu.memory_space<vmem>>
          %dma_start3A_107 = arith.constant 0 : i32
          %dma_start3A_108 = tpu.memref_slice %arg5[%get3A_103, %dma_start3A_107] : memref<4096x4096xf32, #tpu.memory_space<any>> -> memref<1x4096xf32, #tpu.memory_space<any>>
          tpu.enqueue_dma source(%dma_start3A_108 : memref<1x4096xf32, #tpu.memory_space<any>>) target(%dma_start3A_106 : memref<1x4096xf32, #tpu.memory_space<vmem>>) target_semaphore(%arg10 : memref<!tpu.dma_semaphore, #tpu.memory_space<semaphore_mem>>)
          %mul3A_109 = arith.constant 8 : i32
          %mul3A_110 = arith.muli %add3A_87, %mul3A_109 : i32
          %add3A_111 = arith.constant 2 : i32
          %add3A_112 = arith.addi %mul3A_110, %add3A_111 : i32
          %get3A_113 = arith.index_cast %add3A_112 : i32 to index
          %get3A_114 = memref.load %arg1[%get3A_113] : memref<4224xi32, #tpu.memory_space<smem>>
          %dma_start3A_115 = arith.constant 2 : i32
          %dma_start3A_116 = arith.constant 0 : i32
          %dma_start3A_117 = tpu.memref_slice %arg7[%dma_start3A_115, %dma_start3A_116] : memref<8x4096xf32, #tpu.memory_space<vmem>> -> memref<1x4096xf32, #tpu.memory_space<vmem>>
          %dma_start3A_118 = arith.constant 0 : i32
          %dma_start3A_119 = tpu.memref_slice %arg5[%get3A_114, %dma_start3A_118] : memref<4096x4096xf32, #tpu.memory_space<any>> -> memref<1x4096xf32, #tpu.memory_space<any>>
          tpu.enqueue_dma source(%dma_start3A_119 : memref<1x4096xf32, #tpu.memory_space<any>>) target(%dma_start3A_117 : memref<1x4096xf32, #tpu.memory_space<vmem>>) target_semaphore(%arg10 : memref<!tpu.dma_semaphore, #tpu.memory_space<semaphore_mem>>)
          %mul3A_120 = arith.constant 8 : i32
          %mul3A_121 = arith.muli %add3A_87, %mul3A_120 : i32
          %add3A_122 = arith.constant 3 : i32
          %add3A_123 = arith.addi %mul3A_121, %add3A_122 : i32
          %get3A_124 = arith.index_cast %add3A_123 : i32 to index
          %get3A_125 = memref.load %arg1[%get3A_124] : memref<4224xi32, #tpu.memory_space<smem>>
          %dma_start3A_126 = arith.constant 3 : i32
          %dma_start3A_127 = arith.constant 0 : i32
          %dma_start3A_128 = tpu.memref_slice %arg7[%dma_start3A_126, %dma_start3A_127] : memref<8x4096xf32, #tpu.memory_space<vmem>> -> memref<1x4096xf32, #tpu.memory_space<vmem>>
          %dma_start3A_129 = arith.constant 0 : i32
          %dma_start3A_130 = tpu.memref_slice %arg5[%get3A_125, %dma_start3A_129] : memref<4096x4096xf32, #tpu.memory_space<any>> -> memref<1x4096xf32, #tpu.memory_space<any>>
          tpu.enqueue_dma source(%dma_start3A_130 : memref<1x4096xf32, #tpu.memory_space<any>>) target(%dma_start3A_128 : memref<1x4096xf32, #tpu.memory_space<vmem>>) target_semaphore(%arg10 : memref<!tpu.dma_semaphore, #tpu.memory_space<semaphore_mem>>)
          %mul3A_131 = arith.constant 8 : i32
          %mul3A_132 = arith.muli %add3A_87, %mul3A_131 : i32
          %add3A_133 = arith.constant 4 : i32
          %add3A_134 = arith.addi %mul3A_132, %add3A_133 : i32
          %get3A_135 = arith.index_cast %add3A_134 : i32 to index
          %get3A_136 = memref.load %arg1[%get3A_135] : memref<4224xi32, #tpu.memory_space<smem>>
          %dma_start3A_137 = arith.constant 4 : i32
          %dma_start3A_138 = arith.constant 0 : i32
          %dma_start3A_139 = tpu.memref_slice %arg7[%dma_start3A_137, %dma_start3A_138] : memref<8x4096xf32, #tpu.memory_space<vmem>> -> memref<1x4096xf32, #tpu.memory_space<vmem>>
          %dma_start3A_140 = arith.constant 0 : i32
          %dma_start3A_141 = tpu.memref_slice %arg5[%get3A_136, %dma_start3A_140] : memref<4096x4096xf32, #tpu.memory_space<any>> -> memref<1x4096xf32, #tpu.memory_space<any>>
          tpu.enqueue_dma source(%dma_start3A_141 : memref<1x4096xf32, #tpu.memory_space<any>>) target(%dma_start3A_139 : memref<1x4096xf32, #tpu.memory_space<vmem>>) target_semaphore(%arg10 : memref<!tpu.dma_semaphore, #tpu.memory_space<semaphore_mem>>)
          %mul3A_142 = arith.constant 8 : i32
          %mul3A_143 = arith.muli %add3A_87, %mul3A_142 : i32
          %add3A_144 = arith.constant 5 : i32
          %add3A_145 = arith.addi %mul3A_143, %add3A_144 : i32
          %get3A_146 = arith.index_cast %add3A_145 : i32 to index
          %get3A_147 = memref.load %arg1[%get3A_146] : memref<4224xi32, #tpu.memory_space<smem>>
          %dma_start3A_148 = arith.constant 5 : i32
          %dma_start3A_149 = arith.constant 0 : i32
          %dma_start3A_150 = tpu.memref_slice %arg7[%dma_start3A_148, %dma_start3A_149] : memref<8x4096xf32, #tpu.memory_space<vmem>> -> memref<1x4096xf32, #tpu.memory_space<vmem>>
          %dma_start3A_151 = arith.constant 0 : i32
          %dma_start3A_152 = tpu.memref_slice %arg5[%get3A_147, %dma_start3A_151] : memref<4096x4096xf32, #tpu.memory_space<any>> -> memref<1x4096xf32, #tpu.memory_space<any>>
          tpu.enqueue_dma source(%dma_start3A_152 : memref<1x4096xf32, #tpu.memory_space<any>>) target(%dma_start3A_150 : memref<1x4096xf32, #tpu.memory_space<vmem>>) target_semaphore(%arg10 : memref<!tpu.dma_semaphore, #tpu.memory_space<semaphore_mem>>)
          %mul3A_153 = arith.constant 8 : i32
          %mul3A_154 = arith.muli %add3A_87, %mul3A_153 : i32
          %add3A_155 = arith.constant 6 : i32
          %add3A_156 = arith.addi %mul3A_154, %add3A_155 : i32
          %get3A_157 = arith.index_cast %add3A_156 : i32 to index
          %get3A_158 = memref.load %arg1[%get3A_157] : memref<4224xi32, #tpu.memory_space<smem>>
          %dma_start3A_159 = arith.constant 6 : i32
          %dma_start3A_160 = arith.constant 0 : i32
          %dma_start3A_161 = tpu.memref_slice %arg7[%dma_start3A_159, %dma_start3A_160] : memref<8x4096xf32, #tpu.memory_space<vmem>> -> memref<1x4096xf32, #tpu.memory_space<vmem>>
          %dma_start3A_162 = arith.constant 0 : i32
          %dma_start3A_163 = tpu.memref_slice %arg5[%get3A_158, %dma_start3A_162] : memref<4096x4096xf32, #tpu.memory_space<any>> -> memref<1x4096xf32, #tpu.memory_space<any>>
          tpu.enqueue_dma source(%dma_start3A_163 : memref<1x4096xf32, #tpu.memory_space<any>>) target(%dma_start3A_161 : memref<1x4096xf32, #tpu.memory_space<vmem>>) target_semaphore(%arg10 : memref<!tpu.dma_semaphore, #tpu.memory_space<semaphore_mem>>)
          %mul3A_164 = arith.constant 8 : i32
          %mul3A_165 = arith.muli %add3A_87, %mul3A_164 : i32
          %add3A_166 = arith.constant 7 : i32
          %add3A_167 = arith.addi %mul3A_165, %add3A_166 : i32
          %get3A_168 = arith.index_cast %add3A_167 : i32 to index
          %get3A_169 = memref.load %arg1[%get3A_168] : memref<4224xi32, #tpu.memory_space<smem>>
          %dma_start3A_170 = arith.constant 7 : i32
          %dma_start3A_171 = arith.constant 0 : i32
          %dma_start3A_172 = tpu.memref_slice %arg7[%dma_start3A_170, %dma_start3A_171] : memref<8x4096xf32, #tpu.memory_space<vmem>> -> memref<1x4096xf32, #tpu.memory_space<vmem>>
          %dma_start3A_173 = arith.constant 0 : i32
          %dma_start3A_174 = tpu.memref_slice %arg5[%get3A_169, %dma_start3A_173] : memref<4096x4096xf32, #tpu.memory_space<any>> -> memref<1x4096xf32, #tpu.memory_space<any>>
          tpu.enqueue_dma source(%dma_start3A_174 : memref<1x4096xf32, #tpu.memory_space<any>>) target(%dma_start3A_172 : memref<1x4096xf32, #tpu.memory_space<vmem>>) target_semaphore(%arg10 : memref<!tpu.dma_semaphore, #tpu.memory_space<semaphore_mem>>)
        } else {
        }
      } else {
      }
      %iota3A = tpu.iota {dimensions = array<i32: 0>} : vector<8x1xi32>
      %mul3A = arith.constant 8 : i32
      %mul3A_61 = arith.muli %while3A_52, %mul3A : i32
      %add3A_62 = vector.broadcast %mul3A_61 : i32 to vector<8x1xi32>
      %add3A_63 = arith.addi %iota3A, %add3A_62 : vector<8x1xi32>
      %lt3A_64 = vector.broadcast %get3A_0 : i32 to vector<8x1xi32>
      %lt3A_65 = arith.cmpi slt, %add3A_63, %lt3A_64 : vector<8x1xi32>
      %jit3A_66 = arith.constant 1.000000e+00 : f32
      %jit3A_67 = arith.constant 0.000000e+00 : f32
      %broadcast_in_dim3A_68 = vector.broadcast %jit3A_66 : f32 to vector<8x1xf32>
      %broadcast_in_dim3A_69 = vector.broadcast %jit3A_67 : f32 to vector<8x1xf32>
      %select_n3A_70 = arith.select %lt3A_65, %broadcast_in_dim3A_68, %broadcast_in_dim3A_69 : vector<8x1xi1>, vector<8x1xf32>
      %convert_element_type3A_71 = arith.extui %eq3A_55 : i1 to i32
      %cond3A_72 = arith.constant 0 : i32
      %cond3A_73 = arith.cmpi ne, %convert_element_type3A_71, %cond3A_72 : i32
      scf.if %cond3A_73 {
        %dma_wait3A = arith.constant 0 : i32
        %dma_wait3A_78 = arith.constant 0 : i32
        %dma_wait3A_79 = tpu.memref_slice %arg7[%dma_wait3A, %dma_wait3A_78] : memref<8x4096xf32, #tpu.memory_space<vmem>> -> memref<1x4096xf32, #tpu.memory_space<vmem>>
        %dma_wait3A_80 = arith.constant 0 : i32
        %dma_wait3A_81 = arith.constant 0 : i32
        %dma_wait3A_82 = tpu.memref_slice %arg5[%dma_wait3A_80, %dma_wait3A_81] : memref<4096x4096xf32, #tpu.memory_space<any>> -> memref<1x4096xf32, #tpu.memory_space<any>>
        tpu.wait_dma2 semaphore(%arg10 : memref<!tpu.dma_semaphore, #tpu.memory_space<semaphore_mem>>) src(%dma_wait3A_82 : memref<1x4096xf32, #tpu.memory_space<any>>) dst(%dma_wait3A_79 : memref<1x4096xf32, #tpu.memory_space<vmem>>)
        %dma_wait3A_83 = arith.constant 1 : i32
        %dma_wait3A_84 = arith.constant 0 : i32
        %dma_wait3A_85 = tpu.memref_slice %arg7[%dma_wait3A_83, %dma_wait3A_84] : memref<8x4096xf32, #tpu.memory_space<vmem>> -> memref<1x4096xf32, #tpu.memory_space<vmem>>
        %dma_wait3A_86 = arith.constant 0 : i32
        %dma_wait3A_87 = arith.constant 0 : i32
        %dma_wait3A_88 = tpu.memref_slice %arg5[%dma_wait3A_86, %dma_wait3A_87] : memref<4096x4096xf32, #tpu.memory_space<any>> -> memref<1x4096xf32, #tpu.memory_space<any>>
        tpu.wait_dma2 semaphore(%arg10 : memref<!tpu.dma_semaphore, #tpu.memory_space<semaphore_mem>>) src(%dma_wait3A_88 : memref<1x4096xf32, #tpu.memory_space<any>>) dst(%dma_wait3A_85 : memref<1x4096xf32, #tpu.memory_space<vmem>>)
        %dma_wait3A_89 = arith.constant 2 : i32
        %dma_wait3A_90 = arith.constant 0 : i32
        %dma_wait3A_91 = tpu.memref_slice %arg7[%dma_wait3A_89, %dma_wait3A_90] : memref<8x4096xf32, #tpu.memory_space<vmem>> -> memref<1x4096xf32, #tpu.memory_space<vmem>>
        %dma_wait3A_92 = arith.constant 0 : i32
        %dma_wait3A_93 = arith.constant 0 : i32
        %dma_wait3A_94 = tpu.memref_slice %arg5[%dma_wait3A_92, %dma_wait3A_93] : memref<4096x4096xf32, #tpu.memory_space<any>> -> memref<1x4096xf32, #tpu.memory_space<any>>
        tpu.wait_dma2 semaphore(%arg10 : memref<!tpu.dma_semaphore, #tpu.memory_space<semaphore_mem>>) src(%dma_wait3A_94 : memref<1x4096xf32, #tpu.memory_space<any>>) dst(%dma_wait3A_91 : memref<1x4096xf32, #tpu.memory_space<vmem>>)
        %dma_wait3A_95 = arith.constant 3 : i32
        %dma_wait3A_96 = arith.constant 0 : i32
        %dma_wait3A_97 = tpu.memref_slice %arg7[%dma_wait3A_95, %dma_wait3A_96] : memref<8x4096xf32, #tpu.memory_space<vmem>> -> memref<1x4096xf32, #tpu.memory_space<vmem>>
        %dma_wait3A_98 = arith.constant 0 : i32
        %dma_wait3A_99 = arith.constant 0 : i32
        %dma_wait3A_100 = tpu.memref_slice %arg5[%dma_wait3A_98, %dma_wait3A_99] : memref<4096x4096xf32, #tpu.memory_space<any>> -> memref<1x4096xf32, #tpu.memory_space<any>>
        tpu.wait_dma2 semaphore(%arg10 : memref<!tpu.dma_semaphore, #tpu.memory_space<semaphore_mem>>) src(%dma_wait3A_100 : memref<1x4096xf32, #tpu.memory_space<any>>) dst(%dma_wait3A_97 : memref<1x4096xf32, #tpu.memory_space<vmem>>)
        %dma_wait3A_101 = arith.constant 4 : i32
        %dma_wait3A_102 = arith.constant 0 : i32
        %dma_wait3A_103 = tpu.memref_slice %arg7[%dma_wait3A_101, %dma_wait3A_102] : memref<8x4096xf32, #tpu.memory_space<vmem>> -> memref<1x4096xf32, #tpu.memory_space<vmem>>
        %dma_wait3A_104 = arith.constant 0 : i32
        %dma_wait3A_105 = arith.constant 0 : i32
        %dma_wait3A_106 = tpu.memref_slice %arg5[%dma_wait3A_104, %dma_wait3A_105] : memref<4096x4096xf32, #tpu.memory_space<any>> -> memref<1x4096xf32, #tpu.memory_space<any>>
        tpu.wait_dma2 semaphore(%arg10 : memref<!tpu.dma_semaphore, #tpu.memory_space<semaphore_mem>>) src(%dma_wait3A_106 : memref<1x4096xf32, #tpu.memory_space<any>>) dst(%dma_wait3A_103 : memref<1x4096xf32, #tpu.memory_space<vmem>>)
        %dma_wait3A_107 = arith.constant 5 : i32
        %dma_wait3A_108 = arith.constant 0 : i32
        %dma_wait3A_109 = tpu.memref_slice %arg7[%dma_wait3A_107, %dma_wait3A_108] : memref<8x4096xf32, #tpu.memory_space<vmem>> -> memref<1x4096xf32, #tpu.memory_space<vmem>>
        %dma_wait3A_110 = arith.constant 0 : i32
        %dma_wait3A_111 = arith.constant 0 : i32
        %dma_wait3A_112 = tpu.memref_slice %arg5[%dma_wait3A_110, %dma_wait3A_111] : memref<4096x4096xf32, #tpu.memory_space<any>> -> memref<1x4096xf32, #tpu.memory_space<any>>
        tpu.wait_dma2 semaphore(%arg10 : memref<!tpu.dma_semaphore, #tpu.memory_space<semaphore_mem>>) src(%dma_wait3A_112 : memref<1x4096xf32, #tpu.memory_space<any>>) dst(%dma_wait3A_109 : memref<1x4096xf32, #tpu.memory_space<vmem>>)
        %dma_wait3A_113 = arith.constant 6 : i32
        %dma_wait3A_114 = arith.constant 0 : i32
        %dma_wait3A_115 = tpu.memref_slice %arg7[%dma_wait3A_113, %dma_wait3A_114] : memref<8x4096xf32, #tpu.memory_space<vmem>> -> memref<1x4096xf32, #tpu.memory_space<vmem>>
        %dma_wait3A_116 = arith.constant 0 : i32
        %dma_wait3A_117 = arith.constant 0 : i32
        %dma_wait3A_118 = tpu.memref_slice %arg5[%dma_wait3A_116, %dma_wait3A_117] : memref<4096x4096xf32, #tpu.memory_space<any>> -> memref<1x4096xf32, #tpu.memory_space<any>>
        tpu.wait_dma2 semaphore(%arg10 : memref<!tpu.dma_semaphore, #tpu.memory_space<semaphore_mem>>) src(%dma_wait3A_118 : memref<1x4096xf32, #tpu.memory_space<any>>) dst(%dma_wait3A_115 : memref<1x4096xf32, #tpu.memory_space<vmem>>)
        %dma_wait3A_119 = arith.constant 7 : i32
        %dma_wait3A_120 = arith.constant 0 : i32
        %dma_wait3A_121 = tpu.memref_slice %arg7[%dma_wait3A_119, %dma_wait3A_120] : memref<8x4096xf32, #tpu.memory_space<vmem>> -> memref<1x4096xf32, #tpu.memory_space<vmem>>
        %dma_wait3A_122 = arith.constant 0 : i32
        %dma_wait3A_123 = arith.constant 0 : i32
        %dma_wait3A_124 = tpu.memref_slice %arg5[%dma_wait3A_122, %dma_wait3A_123] : memref<4096x4096xf32, #tpu.memory_space<any>> -> memref<1x4096xf32, #tpu.memory_space<any>>
        tpu.wait_dma2 semaphore(%arg10 : memref<!tpu.dma_semaphore, #tpu.memory_space<semaphore_mem>>) src(%dma_wait3A_124 : memref<1x4096xf32, #tpu.memory_space<any>>) dst(%dma_wait3A_121 : memref<1x4096xf32, #tpu.memory_space<vmem>>)
        %get3A_125 = arith.constant 0 : index
        %get3A_126 = arith.constant 0 : index
        %get3A_127 = vector.load %arg9[%get3A_125, %get3A_126] : memref<8x4096xf32, #tpu.memory_space<vmem>>, vector<8x4096xf32>
        %get3A_128 = arith.constant 0 : index
        %get3A_129 = arith.constant 0 : index
        %get3A_130 = vector.load %arg7[%get3A_128, %get3A_129] : memref<8x4096xf32, #tpu.memory_space<vmem>>, vector<8x4096xf32>
        %mul3A_131 = vector.broadcast %select_n3A_70 : vector<8x1xf32> to vector<8x4096xf32>
        %mul3A_132 = arith.mulf %get3A_130, %mul3A_131 : vector<8x4096xf32>
        %add3A_133 = arith.addf %get3A_127, %mul3A_132 : vector<8x4096xf32>
        %swap3A_134 = arith.constant 0 : index
        %swap3A_135 = arith.constant 0 : index
        %swap3A_136 = vector.load %arg9[%swap3A_134, %swap3A_135] : memref<8x4096xf32, #tpu.memory_space<vmem>>, vector<8x4096xf32>
        tpu.vector_store %arg9[%swap3A_134, %swap3A_135], %add3A_133 {strides = array<i32>} : memref<8x4096xf32, #tpu.memory_space<vmem>>, vector<8x4096xf32>,
      } else {
      }
      %not3A = arith.constant true
      %not3A_74 = arith.xori %eq3A_55, %not3A : i1
      %convert_element_type3A_75 = arith.extui %not3A_74 : i1 to i32
      %cond3A_76 = arith.constant 0 : i32
      %cond3A_77 = arith.cmpi ne, %convert_element_type3A_75, %cond3A_76 : i32
      scf.if %cond3A_77 {
        %dma_wait3A = arith.constant 0 : i32
        %dma_wait3A_78 = arith.constant 0 : i32
        %dma_wait3A_79 = tpu.memref_slice %arg8[%dma_wait3A, %dma_wait3A_78] : memref<8x4096xf32, #tpu.memory_space<vmem>> -> memref<1x4096xf32, #tpu.memory_space<vmem>>
        %dma_wait3A_80 = arith.constant 0 : i32
        %dma_wait3A_81 = arith.constant 0 : i32
        %dma_wait3A_82 = tpu.memref_slice %arg5[%dma_wait3A_80, %dma_wait3A_81] : memref<4096x4096xf32, #tpu.memory_space<any>> -> memref<1x4096xf32, #tpu.memory_space<any>>
        tpu.wait_dma2 semaphore(%arg11 : memref<!tpu.dma_semaphore, #tpu.memory_space<semaphore_mem>>) src(%dma_wait3A_82 : memref<1x4096xf32, #tpu.memory_space<any>>) dst(%dma_wait3A_79 : memref<1x4096xf32, #tpu.memory_space<vmem>>)
        %dma_wait3A_83 = arith.constant 1 : i32
        %dma_wait3A_84 = arith.constant 0 : i32
        %dma_wait3A_85 = tpu.memref_slice %arg8[%dma_wait3A_83, %dma_wait3A_84] : memref<8x4096xf32, #tpu.memory_space<vmem>> -> memref<1x4096xf32, #tpu.memory_space<vmem>>
        %dma_wait3A_86 = arith.constant 0 : i32
        %dma_wait3A_87 = arith.constant 0 : i32
        %dma_wait3A_88 = tpu.memref_slice %arg5[%dma_wait3A_86, %dma_wait3A_87] : memref<4096x4096xf32, #tpu.memory_space<any>> -> memref<1x4096xf32, #tpu.memory_space<any>>
        tpu.wait_dma2 semaphore(%arg11 : memref<!tpu.dma_semaphore, #tpu.memory_space<semaphore_mem>>) src(%dma_wait3A_88 : memref<1x4096xf32, #tpu.memory_space<any>>) dst(%dma_wait3A_85 : memref<1x4096xf32, #tpu.memory_space<vmem>>)
        %dma_wait3A_89 = arith.constant 2 : i32
        %dma_wait3A_90 = arith.constant 0 : i32
        %dma_wait3A_91 = tpu.memref_slice %arg8[%dma_wait3A_89, %dma_wait3A_90] : memref<8x4096xf32, #tpu.memory_space<vmem>> -> memref<1x4096xf32, #tpu.memory_space<vmem>>
        %dma_wait3A_92 = arith.constant 0 : i32
        %dma_wait3A_93 = arith.constant 0 : i32
        %dma_wait3A_94 = tpu.memref_slice %arg5[%dma_wait3A_92, %dma_wait3A_93] : memref<4096x4096xf32, #tpu.memory_space<any>> -> memref<1x4096xf32, #tpu.memory_space<any>>
        tpu.wait_dma2 semaphore(%arg11 : memref<!tpu.dma_semaphore, #tpu.memory_space<semaphore_mem>>) src(%dma_wait3A_94 : memref<1x4096xf32, #tpu.memory_space<any>>) dst(%dma_wait3A_91 : memref<1x4096xf32, #tpu.memory_space<vmem>>)
        %dma_wait3A_95 = arith.constant 3 : i32
        %dma_wait3A_96 = arith.constant 0 : i32
        %dma_wait3A_97 = tpu.memref_slice %arg8[%dma_wait3A_95, %dma_wait3A_96] : memref<8x4096xf32, #tpu.memory_space<vmem>> -> memref<1x4096xf32, #tpu.memory_space<vmem>>
        %dma_wait3A_98 = arith.constant 0 : i32
        %dma_wait3A_99 = arith.constant 0 : i32
        %dma_wait3A_100 = tpu.memref_slice %arg5[%dma_wait3A_98, %dma_wait3A_99] : memref<4096x4096xf32, #tpu.memory_space<any>> -> memref<1x4096xf32, #tpu.memory_space<any>>
        tpu.wait_dma2 semaphore(%arg11 : memref<!tpu.dma_semaphore, #tpu.memory_space<semaphore_mem>>) src(%dma_wait3A_100 : memref<1x4096xf32, #tpu.memory_space<any>>) dst(%dma_wait3A_97 : memref<1x4096xf32, #tpu.memory_space<vmem>>)
        %dma_wait3A_101 = arith.constant 4 : i32
        %dma_wait3A_102 = arith.constant 0 : i32
        %dma_wait3A_103 = tpu.memref_slice %arg8[%dma_wait3A_101, %dma_wait3A_102] : memref<8x4096xf32, #tpu.memory_space<vmem>> -> memref<1x4096xf32, #tpu.memory_space<vmem>>
        %dma_wait3A_104 = arith.constant 0 : i32
        %dma_wait3A_105 = arith.constant 0 : i32
        %dma_wait3A_106 = tpu.memref_slice %arg5[%dma_wait3A_104, %dma_wait3A_105] : memref<4096x4096xf32, #tpu.memory_space<any>> -> memref<1x4096xf32, #tpu.memory_space<any>>
        tpu.wait_dma2 semaphore(%arg11 : memref<!tpu.dma_semaphore, #tpu.memory_space<semaphore_mem>>) src(%dma_wait3A_106 : memref<1x4096xf32, #tpu.memory_space<any>>) dst(%dma_wait3A_103 : memref<1x4096xf32, #tpu.memory_space<vmem>>)
        %dma_wait3A_107 = arith.constant 5 : i32
        %dma_wait3A_108 = arith.constant 0 : i32
        %dma_wait3A_109 = tpu.memref_slice %arg8[%dma_wait3A_107, %dma_wait3A_108] : memref<8x4096xf32, #tpu.memory_space<vmem>> -> memref<1x4096xf32, #tpu.memory_space<vmem>>
        %dma_wait3A_110 = arith.constant 0 : i32
        %dma_wait3A_111 = arith.constant 0 : i32
        %dma_wait3A_112 = tpu.memref_slice %arg5[%dma_wait3A_110, %dma_wait3A_111] : memref<4096x4096xf32, #tpu.memory_space<any>> -> memref<1x4096xf32, #tpu.memory_space<any>>
        tpu.wait_dma2 semaphore(%arg11 : memref<!tpu.dma_semaphore, #tpu.memory_space<semaphore_mem>>) src(%dma_wait3A_112 : memref<1x4096xf32, #tpu.memory_space<any>>) dst(%dma_wait3A_109 : memref<1x4096xf32, #tpu.memory_space<vmem>>)
        %dma_wait3A_113 = arith.constant 6 : i32
        %dma_wait3A_114 = arith.constant 0 : i32
        %dma_wait3A_115 = tpu.memref_slice %arg8[%dma_wait3A_113, %dma_wait3A_114] : memref<8x4096xf32, #tpu.memory_space<vmem>> -> memref<1x4096xf32, #tpu.memory_space<vmem>>
        %dma_wait3A_116 = arith.constant 0 : i32
        %dma_wait3A_117 = arith.constant 0 : i32
        %dma_wait3A_118 = tpu.memref_slice %arg5[%dma_wait3A_116, %dma_wait3A_117] : memref<4096x4096xf32, #tpu.memory_space<any>> -> memref<1x4096xf32, #tpu.memory_space<any>>
        tpu.wait_dma2 semaphore(%arg11 : memref<!tpu.dma_semaphore, #tpu.memory_space<semaphore_mem>>) src(%dma_wait3A_118 : memref<1x4096xf32, #tpu.memory_space<any>>) dst(%dma_wait3A_115 : memref<1x4096xf32, #tpu.memory_space<vmem>>)
        %dma_wait3A_119 = arith.constant 7 : i32
        %dma_wait3A_120 = arith.constant 0 : i32
        %dma_wait3A_121 = tpu.memref_slice %arg8[%dma_wait3A_119, %dma_wait3A_120] : memref<8x4096xf32, #tpu.memory_space<vmem>> -> memref<1x4096xf32, #tpu.memory_space<vmem>>
        %dma_wait3A_122 = arith.constant 0 : i32
        %dma_wait3A_123 = arith.constant 0 : i32
        %dma_wait3A_124 = tpu.memref_slice %arg5[%dma_wait3A_122, %dma_wait3A_123] : memref<4096x4096xf32, #tpu.memory_space<any>> -> memref<1x4096xf32, #tpu.memory_space<any>>
        tpu.wait_dma2 semaphore(%arg11 : memref<!tpu.dma_semaphore, #tpu.memory_space<semaphore_mem>>) src(%dma_wait3A_124 : memref<1x4096xf32, #tpu.memory_space<any>>) dst(%dma_wait3A_121 : memref<1x4096xf32, #tpu.memory_space<vmem>>)
        %get3A_125 = arith.constant 0 : index
        %get3A_126 = arith.constant 0 : index
        %get3A_127 = vector.load %arg9[%get3A_125, %get3A_126] : memref<8x4096xf32, #tpu.memory_space<vmem>>, vector<8x4096xf32>
        %get3A_128 = arith.constant 0 : index
        %get3A_129 = arith.constant 0 : index
        %get3A_130 = vector.load %arg8[%get3A_128, %get3A_129] : memref<8x4096xf32, #tpu.memory_space<vmem>>, vector<8x4096xf32>
        %mul3A_131 = vector.broadcast %select_n3A_70 : vector<8x1xf32> to vector<8x4096xf32>
        %mul3A_132 = arith.mulf %get3A_130, %mul3A_131 : vector<8x4096xf32>
        %add3A_133 = arith.addf %get3A_127, %mul3A_132 : vector<8x4096xf32>
        %swap3A_134 = arith.constant 0 : index
        %swap3A_135 = arith.constant 0 : index
        %swap3A_136 = vector.load %arg9[%swap3A_134, %swap3A_135] : memref<8x4096xf32, #tpu.memory_space<vmem>>, vector<8x4096xf32>
        tpu.vector_store %arg9[%swap3A_134, %swap3A_135], %add3A_133 {strides = array<i32>} : memref<8x4096xf32, #tpu.memory_space<vmem>>, vector<8x4096xf32>,
      } else {
      }
    }
    %get3A_34 = arith.constant 0 : index
    %get3A_35 = arith.constant 0 : index
    %get3A_36 = vector.load %arg9[%get3A_34, %get3A_35] : memref<8x4096xf32, #tpu.memory_space<vmem>>, vector<8x4096xf32>
    %reduce_sum3A = arith.constant dense<0.000000e+00> : vector<4096xf32>
    %reduce_sum3A_37 = vector.multi_reduction <add>, %get3A_36, %reduce_sum3A [0] : vector<8x4096xf32> to vector<4096xf32>
    %broadcast_in_dim3A_38 = vector.shape_cast %reduce_sum3A_37 : vector<4096xf32> to vector<1x4096xf32>
    %get3A_39 = arith.constant 0 : index
    %get3A_40 = arith.constant 0 : index
    %get3A_41 = vector.load %arg3[%get3A_39, %get3A_40] : memref<1x4096xf32, #tpu.memory_space<vmem>>, vector<1x4096xf32>
    %add3A_42 = arith.addf %broadcast_in_dim3A_38, %get3A_41 : vector<1x4096xf32>
    %get3A_43 = arith.constant 0 : index
    %get3A_44 = arith.constant 0 : index
    %get3A_45 = vector.load %arg4[%get3A_43, %get3A_44] : memref<1x4096xf32, #tpu.memory_space<vmem>>, vector<1x4096xf32>
    %gt3A_46 = arith.cmpf ogt, %add3A_42, %get3A_45 : vector<1x4096xf32>
    %convert_element_type3A_47 = arith.extui %gt3A_46 : vector<1x4096xi1> to vector<1x4096xi32>
    %convert_element_type3A_48 = arith.sitofp %convert_element_type3A_47 : vector<1x4096xi32> to vector<1x4096xf32>
    %swap3A_49 = arith.constant 0 : index
    %swap3A_50 = arith.constant 0 : index
    %swap3A_51 = vector.load %arg6[%swap3A_49, %swap3A_50] : memref<1x4096xf32, #tpu.memory_space<vmem>>, vector<1x4096xf32>
    tpu.vector_store %arg6[%swap3A_49, %swap3A_50], %convert_element_type3A_48 {strides = array<i32>} : memref<1x4096xf32, #tpu.memory_space<vmem>>, vector<1x4096xf32>,
    return
  }
  func.func @transform_0(%arg0: i32) -> i32 {
    %c0_i32 = arith.constant 0 : i32
    %c0_i32_0 = arith.constant 0 : i32
    return %c0_i32 : i32
  }
  func.func @transform_1(%arg0: i32) -> i32 {
    %c0_i32 = arith.constant 0 : i32
    %c0_i32_0 = arith.constant 0 : i32
    return %c0_i32 : i32
  }
  func.func @transform_2(%arg0: i32) -> (i32, i32) {
    %c0_i32 = arith.constant 0 : i32
    %c0_i32_0 = arith.constant 0 : i32
    %c0_i32_1 = arith.constant 0 : i32
    return %c0_i32, %c0_i32_0 : i32, i32
  }
  func.func @transform_3(%arg0: i32) -> (i32, i32) {
    %c0_i32 = arith.constant 0 : i32
    %c0_i32_0 = arith.constant 0 : i32
    %c0_i32_1 = arith.constant 0 : i32
    return %c0_i32, %c0_i32_0 : i32, i32
  }
  func.func @transform_5(%arg0: i32) -> (i32, i32) {
    %c0_i32 = arith.constant 0 : i32
    %c0_i32_0 = arith.constant 0 : i32
    %c0_i32_1 = arith.constant 0 : i32
    return %c0_i32, %c0_i32_0 : i32, i32
  }
}

module attributes {stable_mosaic.version = 14 : i64} {
  func.func @_phase2_body(%arg0: i32, %arg1: memref<1x4096xf32, #tpu.memory_space<vmem>>, %arg2: memref<128x4096xf32, #tpu.memory_space<vmem>>, %arg3: memref<128x1xf32, #tpu.memory_space<vmem>>, %arg4: memref<128x4096xf32, #tpu.memory_space<vmem>>, %arg5: memref<128x1xf32, #tpu.memory_space<vmem>>, %arg6: memref<1x1xf32, #tpu.memory_space<smem>>, %arg7: memref<1x1xi32, #tpu.memory_space<smem>>, %arg8: memref<1xf32, #tpu.memory_space<smem>>, %arg9: memref<1xi32, #tpu.memory_space<smem>>) attributes {dimension_semantics = [#tpu.dimension_semantics<arbitrary>], iteration_bounds = array<i64: 8>, scalar_prefetch = 0 : i64, scratch_operands = 2 : i64, tpu.core_type = #tpu.core_type<tc>, window_params = [{pipeline_mode = #tpu.pipeline_mode<synchronous>, transform_indices = @transform_0, window_bounds = array<i64: 1, 4096>}, {transform_indices = @transform_1, window_bounds = array<i64: 128, 4096>}, {transform_indices = @transform_2, window_bounds = array<i64: 128, 1>}, {transform_indices = @transform_3, window_bounds = array<i64: 128, 4096>}, {transform_indices = @transform_4, window_bounds = array<i64: 128, 1>}, {transform_indices = @transform_5, window_bounds = array<i64: 1, 1>}, {transform_indices = @transform_6, window_bounds = array<i64: 1, 1>}]} {
    %get3A = arith.constant 0 : index
    %get3A_0 = arith.constant 0 : index
    %get3A_1 = vector.load %arg2[%get3A, %get3A_0] : memref<128x4096xf32, #tpu.memory_space<vmem>>, vector<128x4096xf32>
    %swap3A = arith.constant 0 : index
    %swap3A_2 = arith.constant 0 : index
    %swap3A_3 = vector.load %arg4[%swap3A, %swap3A_2] : memref<128x4096xf32, #tpu.memory_space<vmem>>, vector<128x4096xf32>
    tpu.vector_store %arg4[%swap3A, %swap3A_2], %get3A_1 {strides = array<i32>} : memref<128x4096xf32, #tpu.memory_space<vmem>>, vector<128x4096xf32>,
    %convert_element_type3A = arith.truncf %get3A_1 : vector<128x4096xf32> to vector<128x4096xbf16>
    %convert_element_type3A_4 = arith.extf %convert_element_type3A : vector<128x4096xbf16> to vector<128x4096xf32>
    %get3A_5 = arith.constant 0 : index
    %get3A_6 = arith.constant 0 : index
    %get3A_7 = vector.load %arg1[%get3A_5, %get3A_6] : memref<1x4096xf32, #tpu.memory_space<vmem>>, vector<1x4096xf32>
    %dot_general3A = arith.constant dense<0.000000e+00> : vector<128x1xf32>
    %dot_general3A_8 = tpu.matmul %convert_element_type3A_4, %get3A_7, %dot_general3A {dimension_numbers = #tpu.dot_dimension_numbers<[1], [1], [0], [0], [0, 0, 1, 0], [], []>, transpose_lhs_hint = false} : vector<128x4096xf32>, vector<1x4096xf32>, vector<128x1xf32> -> vector<128x1xf32>
    %max3A = arith.constant 0.000000e+00 : f32
    %max3A_9 = vector.broadcast %max3A : f32 to vector<128x1xf32>
    %max3A_10 = arith.maximumf %dot_general3A_8, %max3A_9 : vector<128x1xf32>
    %swap3A_11 = arith.constant 0 : index
    %swap3A_12 = arith.constant 0 : index
    %swap3A_13 = vector.load %arg5[%swap3A_11, %swap3A_12] : memref<128x1xf32, #tpu.memory_space<vmem>>, vector<128x1xf32>
    tpu.vector_store %arg5[%swap3A_11, %swap3A_12], %max3A_10 {strides = array<i32>} : memref<128x1xf32, #tpu.memory_space<vmem>>, vector<128x1xf32>,
    %get3A_14 = arith.constant 0 : index
    %get3A_15 = arith.constant 0 : index
    %get3A_16 = vector.load %arg3[%get3A_14, %get3A_15] : memref<128x1xf32, #tpu.memory_space<vmem>>, vector<128x1xf32>
    %sub3A = arith.subf %max3A_10, %get3A_16 : vector<128x1xf32>
    %max3A_17 = arith.constant 0.000000e+00 : f32
    %max3A_18 = vector.broadcast %max3A_17 : f32 to vector<128x1xf32>
    %max3A_19 = arith.maximumf %sub3A, %max3A_18 : vector<128x1xf32>
    %reduce_max3A = vector.shape_cast %max3A_19 : vector<128x1xf32> to vector<1x128x1xf32>
    %reduce_max3A_20 = arith.constant dense<0xFF800000> : vector<1xf32>
    %reduce_max3A_21 = vector.multi_reduction <maximumf>, %reduce_max3A, %reduce_max3A_20 [1, 2] : vector<1x128x1xf32> to vector<1xf32>
    %reduce_max3A_22 = vector.shape_cast %reduce_max3A_21 : vector<1xf32> to vector<1x1x1xf32>
    %reduce_max3A_23 = vector.extract %reduce_max3A_22[0, 0, 0] : f32 from vector<1x1x1xf32>
    %iota3A = tpu.iota {dimensions = array<i32: 0>} : vector<128x1xi32>
    %eq3A = vector.broadcast %reduce_max3A_23 : f32 to vector<128x1xf32>
    %eq3A_24 = arith.cmpf oeq, %max3A_19, %eq3A : vector<128x1xf32>
    %jit3A = arith.constant 1073741824 : i32
    %broadcast_in_dim3A = vector.broadcast %jit3A : i32 to vector<128x1xi32>
    %select_n3A = arith.select %eq3A_24, %iota3A, %broadcast_in_dim3A : vector<128x1xi1>, vector<128x1xi32>
    %reduce_min3A = vector.shape_cast %select_n3A : vector<128x1xi32> to vector<1x128x1xi32>
    %reduce_min3A_25 = arith.constant dense<2147483647> : vector<1xi32>
    %reduce_min3A_26 = vector.multi_reduction <minsi>, %reduce_min3A, %reduce_min3A_25 [1, 2] : vector<1x128x1xi32> to vector<1xi32>
    %reduce_min3A_27 = vector.shape_cast %reduce_min3A_26 : vector<1xi32> to vector<1x1x1xi32>
    %reduce_min3A_28 = vector.extract %reduce_min3A_27[0, 0, 0] : i32 from vector<1x1x1xi32>
    %mul3A = arith.constant 128 : i32
    %mul3A_29 = arith.muli %arg0, %mul3A : i32
    %add3A = arith.addi %reduce_min3A_28, %mul3A_29 : i32
    %eq3A_30 = arith.constant 0 : i32
    %eq3A_31 = arith.cmpi eq, %arg0, %eq3A_30 : i32
    %convert_element_type3A_32 = arith.extui %eq3A_31 : i1 to i32
    %cond3A = arith.constant 0 : i32
    %cond3A_33 = arith.cmpi ne, %convert_element_type3A_32, %cond3A : i32
    scf.if %cond3A_33 {
      %swap3A_43 = arith.constant 0 : index
      %swap3A_44 = memref.load %arg8[%swap3A_43] : memref<1xf32, #tpu.memory_space<smem>>
      memref.store %reduce_max3A_23, %arg8[%swap3A_43] : memref<1xf32, #tpu.memory_space<smem>>
      %swap3A_45 = arith.constant 0 : index
      %swap3A_46 = memref.load %arg9[%swap3A_45] : memref<1xi32, #tpu.memory_space<smem>>
      memref.store %add3A, %arg9[%swap3A_45] : memref<1xi32, #tpu.memory_space<smem>>
    } else {
    }
    %gt3A = arith.constant 0 : i32
    %gt3A_34 = arith.cmpi sgt, %arg0, %gt3A : i32
    %convert_element_type3A_35 = arith.extui %gt3A_34 : i1 to i32
    %cond3A_36 = arith.constant 0 : i32
    %cond3A_37 = arith.cmpi ne, %convert_element_type3A_35, %cond3A_36 : i32
    scf.if %cond3A_37 {
      %get3A_43 = arith.constant 0 : index
      %get3A_44 = memref.load %arg8[%get3A_43] : memref<1xf32, #tpu.memory_space<smem>>
      %gt3A_45 = arith.cmpf ogt, %reduce_max3A_23, %get3A_44 : f32
      %get3A_46 = arith.constant 0 : index
      %get3A_47 = memref.load %arg8[%get3A_46] : memref<1xf32, #tpu.memory_space<smem>>
      %select_n3A_48 = arith.select %gt3A_45, %reduce_max3A_23, %get3A_47 : f32
      %swap3A_49 = arith.constant 0 : index
      %swap3A_50 = memref.load %arg8[%swap3A_49] : memref<1xf32, #tpu.memory_space<smem>>
      memref.store %select_n3A_48, %arg8[%swap3A_49] : memref<1xf32, #tpu.memory_space<smem>>
      %get3A_51 = arith.constant 0 : index
      %get3A_52 = memref.load %arg9[%get3A_51] : memref<1xi32, #tpu.memory_space<smem>>
      %select_n3A_53 = arith.select %gt3A_45, %add3A, %get3A_52 : i32
      %swap3A_54 = arith.constant 0 : index
      %swap3A_55 = memref.load %arg9[%swap3A_54] : memref<1xi32, #tpu.memory_space<smem>>
      memref.store %select_n3A_53, %arg9[%swap3A_54] : memref<1xi32, #tpu.memory_space<smem>>
    } else {
    }
    %eq3A_38 = arith.constant 7 : i32
    %eq3A_39 = arith.cmpi eq, %arg0, %eq3A_38 : i32
    %convert_element_type3A_40 = arith.extui %eq3A_39 : i1 to i32
    %cond3A_41 = arith.constant 0 : i32
    %cond3A_42 = arith.cmpi ne, %convert_element_type3A_40, %cond3A_41 : i32
    scf.if %cond3A_42 {
      %get3A_43 = arith.constant 0 : index
      %get3A_44 = memref.load %arg8[%get3A_43] : memref<1xf32, #tpu.memory_space<smem>>
      %swap3A_45 = arith.constant 0 : index
      %swap3A_46 = arith.constant 0 : index
      %swap3A_47 = memref.load %arg6[%swap3A_45, %swap3A_46] : memref<1x1xf32, #tpu.memory_space<smem>>
      memref.store %get3A_44, %arg6[%swap3A_45, %swap3A_46] : memref<1x1xf32, #tpu.memory_space<smem>>
      %get3A_48 = arith.constant 0 : index
      %get3A_49 = memref.load %arg9[%get3A_48] : memref<1xi32, #tpu.memory_space<smem>>
      %swap3A_50 = arith.constant 0 : index
      %swap3A_51 = arith.constant 0 : index
      %swap3A_52 = memref.load %arg7[%swap3A_50, %swap3A_51] : memref<1x1xi32, #tpu.memory_space<smem>>
      memref.store %get3A_49, %arg7[%swap3A_50, %swap3A_51] : memref<1x1xi32, #tpu.memory_space<smem>>
    } else {
    }
    return
  }
  func.func @transform_0(%arg0: i32) -> (i32, i32) {
    %c0_i32 = arith.constant 0 : i32
    %c0_i32_0 = arith.constant 0 : i32
    %c0_i32_1 = arith.constant 0 : i32
    return %c0_i32, %c0_i32_0 : i32, i32
  }
  func.func @transform_1(%arg0: i32) -> (i32, i32) {
    %c0_i32 = arith.constant 0 : i32
    %c0_i32_0 = arith.constant 0 : i32
    return %arg0, %c0_i32 : i32, i32
  }
  func.func @transform_2(%arg0: i32) -> (i32, i32) {
    %c0_i32 = arith.constant 0 : i32
    %c0_i32_0 = arith.constant 0 : i32
    return %arg0, %c0_i32 : i32, i32
  }
  func.func @transform_3(%arg0: i32) -> (i32, i32) {
    %c0_i32 = arith.constant 0 : i32
    %c0_i32_0 = arith.constant 0 : i32
    return %arg0, %c0_i32 : i32, i32
  }
  func.func @transform_4(%arg0: i32) -> (i32, i32) {
    %c0_i32 = arith.constant 0 : i32
    %c0_i32_0 = arith.constant 0 : i32
    return %arg0, %c0_i32 : i32, i32
  }
  func.func @transform_5(%arg0: i32) -> (i32, i32) {
    %c0_i32 = arith.constant 0 : i32
    %c0_i32_0 = arith.constant 0 : i32
    %c0_i32_1 = arith.constant 0 : i32
    return %c0_i32, %c0_i32_0 : i32, i32
  }
  func.func @transform_6(%arg0: i32) -> (i32, i32) {
    %c0_i32 = arith.constant 0 : i32
    %c0_i32_0 = arith.constant 0 : i32
    %c0_i32_1 = arith.constant 0 : i32
    return %c0_i32, %c0_i32_0 : i32, i32
  }
}

module attributes {stable_mosaic.version = 14 : i64} {
  func.func @_phase3_body(%arg0: i32, %arg1: memref<1x1xi32, #tpu.memory_space<smem>>, %arg2: memref<1x1xf32, #tpu.memory_space<smem>>, %arg3: memref<1x4096xf32, #tpu.memory_space<vmem>>, %arg4: memref<1024x1xf32, #tpu.memory_space<vmem>>, %arg5: memref<1024x4096xf32, #tpu.memory_space<any>>, %arg6: memref<1024x4096xf32, #tpu.memory_space<any>>, %arg7: memref<1024x1xf32, #tpu.memory_space<vmem>>, %arg8: memref<1x4096xf32, #tpu.memory_space<vmem>>, %arg9: memref<!tpu.dma_semaphore, #tpu.memory_space<semaphore_mem>>) attributes {dimension_semantics = [#tpu.dimension_semantics<arbitrary>], iteration_bounds = array<i64: 1>, scalar_prefetch = 0 : i64, scratch_operands = 2 : i64, tpu.core_type = #tpu.core_type<tc>, window_params = [{transform_indices = @transform_0, window_bounds = array<i64: 1, 1>}, {transform_indices = @transform_1, window_bounds = array<i64: 1, 1>}, {pipeline_mode = #tpu.pipeline_mode<synchronous>, transform_indices = @transform_2, window_bounds = array<i64: 1, 4096>}, {pipeline_mode = #tpu.pipeline_mode<synchronous>, transform_indices = @transform_3, window_bounds = array<i64: 1024, 1>}, {}, {}, {pipeline_mode = #tpu.pipeline_mode<synchronous>, transform_indices = @transform_6, window_bounds = array<i64: 1024, 1>}]} {
    %get3A = arith.constant 0 : index
    %get3A_0 = arith.constant 0 : index
    %get3A_1 = memref.load %arg1[%get3A, %get3A_0] : memref<1x1xi32, #tpu.memory_space<smem>>
    %get3A_2 = arith.constant 0 : index
    %get3A_3 = arith.constant 0 : index
    %get3A_4 = memref.load %arg2[%get3A_2, %get3A_3] : memref<1x1xf32, #tpu.memory_space<smem>>
    %gt3A = arith.constant 0.000000e+00 : f32
    %gt3A_5 = arith.cmpf ogt, %get3A_4, %gt3A : f32
    %iota3A = tpu.iota {dimensions = array<i32: 0>} : vector<1024x1xi32>
    %eq3A = vector.broadcast %get3A_1 : i32 to vector<1024x1xi32>
    %eq3A_6 = arith.cmpi eq, %iota3A, %eq3A : vector<1024x1xi32>
    %and3A = vector.broadcast %gt3A_5 : i1 to vector<1024x1xi1>
    %and3A_7 = arith.andi %eq3A_6, %and3A : vector<1024x1xi1>
    %mul3A = arith.constant 5.000000e-03 : f32
    %mul3A_8 = arith.mulf %mul3A, %get3A_4 : f32
    %jit3A = arith.constant 0.000000e+00 : f32
    %broadcast_in_dim3A = vector.broadcast %mul3A_8 : f32 to vector<1024x1xf32>
    %broadcast_in_dim3A_9 = vector.broadcast %jit3A : f32 to vector<1024x1xf32>
    %select_n3A = arith.select %and3A_7, %broadcast_in_dim3A, %broadcast_in_dim3A_9 : vector<1024x1xi1>, vector<1024x1xf32>
    %get3A_10 = arith.constant 0 : index
    %get3A_11 = arith.constant 0 : index
    %get3A_12 = vector.load %arg4[%get3A_10, %get3A_11] : memref<1024x1xf32, #tpu.memory_space<vmem>>, vector<1024x1xf32>
    %add3A = arith.addf %get3A_12, %select_n3A : vector<1024x1xf32>
    %swap3A = arith.constant 0 : index
    %swap3A_13 = arith.constant 0 : index
    %swap3A_14 = vector.load %arg7[%swap3A, %swap3A_13] : memref<1024x1xf32, #tpu.memory_space<vmem>>, vector<1024x1xf32>
    tpu.vector_store %arg7[%swap3A, %swap3A_13], %add3A {strides = array<i32>} : memref<1024x1xf32, #tpu.memory_space<vmem>>, vector<1024x1xf32>,
    %convert_element_type3A = arith.extui %gt3A_5 : i1 to i32
    %cond3A = arith.constant 0 : i32
    %cond3A_15 = arith.cmpi ne, %convert_element_type3A, %cond3A : i32
    scf.if %cond3A_15 {
      %dma_start3A = arith.constant 0 : i32
      %dma_start3A_16 = tpu.memref_slice %arg5[%get3A_1, %dma_start3A] : memref<1024x4096xf32, #tpu.memory_space<any>> -> memref<1x4096xf32, #tpu.memory_space<any>>
      tpu.enqueue_dma source(%dma_start3A_16 : memref<1x4096xf32, #tpu.memory_space<any>>) target(%arg8 : memref<1x4096xf32, #tpu.memory_space<vmem>>) target_semaphore(%arg9 : memref<!tpu.dma_semaphore, #tpu.memory_space<semaphore_mem>>)
      %dma_wait3A = arith.constant 0 : i32
      %dma_wait3A_17 = tpu.memref_slice %arg5[%get3A_1, %dma_wait3A] : memref<1024x4096xf32, #tpu.memory_space<any>> -> memref<1x4096xf32, #tpu.memory_space<any>>
      tpu.wait_dma2 semaphore(%arg9 : memref<!tpu.dma_semaphore, #tpu.memory_space<semaphore_mem>>) src(%dma_wait3A_17 : memref<1x4096xf32, #tpu.memory_space<any>>) dst(%arg8 : memref<1x4096xf32, #tpu.memory_space<vmem>>)
      %get3A_18 = arith.constant 0 : index
      %get3A_19 = arith.constant 0 : index
      %get3A_20 = vector.load %arg8[%get3A_18, %get3A_19] : memref<1x4096xf32, #tpu.memory_space<vmem>>, vector<1x4096xf32>
      %mul3A_21 = arith.constant 1.000000e-01 : f32
      %mul3A_22 = arith.mulf %mul3A_21, %get3A_4 : f32
      %get3A_23 = arith.constant 0 : index
      %get3A_24 = arith.constant 0 : index
      %get3A_25 = vector.load %arg3[%get3A_23, %get3A_24] : memref<1x4096xf32, #tpu.memory_space<vmem>>, vector<1x4096xf32>
      %mul3A_26 = vector.broadcast %mul3A_22 : f32 to vector<1x4096xf32>
      %mul3A_27 = arith.mulf %mul3A_26, %get3A_25 : vector<1x4096xf32>
      %add3A_28 = arith.addf %get3A_20, %mul3A_27 : vector<1x4096xf32>
      %reduce_sum3A = vector.shape_cast %add3A_28 : vector<1x4096xf32> to vector<1x1x4096xf32>
      %reduce_sum3A_29 = arith.constant dense<0.000000e+00> : vector<1xf32>
      %reduce_sum3A_30 = vector.multi_reduction <add>, %reduce_sum3A, %reduce_sum3A_29 [1, 2] : vector<1x1x4096xf32> to vector<1xf32>
      %reduce_sum3A_31 = vector.shape_cast %reduce_sum3A_30 : vector<1xf32> to vector<1x1x1xf32>
      %reduce_sum3A_32 = vector.extract %reduce_sum3A_31[0, 0, 0] : f32 from vector<1x1x1xf32>
      %div3A = arith.constant 4.096000e+03 : f32
      %div3A_33 = arith.divf %reduce_sum3A_32, %div3A : f32
      %div3A_34 = vector.broadcast %div3A_33 : f32 to vector<1x4096xf32>
      %div3A_35 = arith.divf %add3A_28, %div3A_34 : vector<1x4096xf32>
      %mul3A_36 = arith.constant 2.500000e+00 : f32
      %mul3A_37 = vector.broadcast %mul3A_36 : f32 to vector<1x4096xf32>
      %mul3A_38 = arith.mulf %div3A_35, %mul3A_37 : vector<1x4096xf32>
      %swap3A_39 = arith.constant 0 : index
      %swap3A_40 = arith.constant 0 : index
      %swap3A_41 = vector.load %arg8[%swap3A_39, %swap3A_40] : memref<1x4096xf32, #tpu.memory_space<vmem>>, vector<1x4096xf32>
      tpu.vector_store %arg8[%swap3A_39, %swap3A_40], %mul3A_38 {strides = array<i32>} : memref<1x4096xf32, #tpu.memory_space<vmem>>, vector<1x4096xf32>,
      %dma_start3A_42 = arith.constant 0 : i32
      %dma_start3A_43 = tpu.memref_slice %arg6[%get3A_1, %dma_start3A_42] : memref<1024x4096xf32, #tpu.memory_space<any>> -> memref<1x4096xf32, #tpu.memory_space<any>>
      tpu.enqueue_dma source(%arg8 : memref<1x4096xf32, #tpu.memory_space<vmem>>) target(%dma_start3A_43 : memref<1x4096xf32, #tpu.memory_space<any>>) target_semaphore(%arg9 : memref<!tpu.dma_semaphore, #tpu.memory_space<semaphore_mem>>)
      %dma_wait3A_44 = arith.constant 0 : i32
      %dma_wait3A_45 = tpu.memref_slice %arg6[%get3A_1, %dma_wait3A_44] : memref<1024x4096xf32, #tpu.memory_space<any>> -> memref<1x4096xf32, #tpu.memory_space<any>>
      tpu.wait_dma2 semaphore(%arg9 : memref<!tpu.dma_semaphore, #tpu.memory_space<semaphore_mem>>) src(%arg8 : memref<1x4096xf32, #tpu.memory_space<vmem>>) dst(%dma_wait3A_45 : memref<1x4096xf32, #tpu.memory_space<any>>)
    } else {
    }
    return
  }
  func.func @transform_0(%arg0: i32) -> (i32, i32) {
    %c0_i32 = arith.constant 0 : i32
    %c0_i32_0 = arith.constant 0 : i32
    %c0_i32_1 = arith.constant 0 : i32
    return %c0_i32, %c0_i32_0 : i32, i32
  }
  func.func @transform_1(%arg0: i32) -> (i32, i32) {
    %c0_i32 = arith.constant 0 : i32
    %c0_i32_0 = arith.constant 0 : i32
    %c0_i32_1 = arith.constant 0 : i32
    return %c0_i32, %c0_i32_0 : i32, i32
  }
  func.func @transform_2(%arg0: i32) -> (i32, i32) {
    %c0_i32 = arith.constant 0 : i32
    %c0_i32_0 = arith.constant 0 : i32
    %c0_i32_1 = arith.constant 0 : i32
    return %c0_i32, %c0_i32_0 : i32, i32
  }
  func.func @transform_3(%arg0: i32) -> (i32, i32) {
    %c0_i32 = arith.constant 0 : i32
    %c0_i32_0 = arith.constant 0 : i32
    %c0_i32_1 = arith.constant 0 : i32
    return %c0_i32, %c0_i32_0 : i32, i32
  }
  func.func @transform_6(%arg0: i32) -> (i32, i32) {
    %c0_i32 = arith.constant 0 : i32
    %c0_i32_0 = arith.constant 0 : i32
    %c0_i32_1 = arith.constant 0 : i32
    return %c0_i32, %c0_i32_0 : i32, i32
  }
}

</mosaic_0001>

<sc_bundles>
// kernel: kernel.6.cloned.1.call-start
scs
__scs_entry_jumppad:
0x0: {  	(pc) =	sbr.rel $0x88, $3  }
0x1: {  	(tag) =	ssettag $0x0;
	lr =	simm.s32 $0x1  }
0x2: {  	[smem:$0x3F9B] =	sst lr;
	_ =	strace $0xD0000000  }
0x3: {  	_ = 	snop  }
0x4: {  	_ = 	snop  }
0x5: {  	_ = 	snop  }
0x6: {  	_ = 	snop  }
0x7: {  	_ = 	snop  }
__scs_overlays_trampoline_lowered:
0x8: {  	[smem:$0x3FAA] =	sst s0  }
0x9: {  	[smem:$0x3FAB] =	sst s1  }
0xa: {  	[smem:$0x3FAC] =	sst s2  }
0xb: {  	[smem:$0x3FAD] =	sst s3  }
0xc: {  	[smem:$0x3FAE] =	sst s4  }
0xd: {  	[smem:$0x3FAF] =	sst s5  }
0xe: {  	[smem:$0x3FB0] =	sst s6  }
0xf: {  	[smem:$0x3FB1] =	sst s7  }
0x10: {  	[smem:$0x3FB2] =	sst s8  }
0x11: {  	[smem:$0x3FB3] =	sst s9;
	s0 =	simm.s32 @!p0 $0x0  }
0x12: {  	s1 =	sld [smem:$0x3F99];
	s0 =	simm.s32 @p0 $0x1  }
0x13: {  	[smem:$0x3FB4] =	sst s0;
	s0 =	simm.s32 @!p1 $0x0  }
0x14: {  	s2 =	sld [smem:$0x3F98];
	s0 =	simm.s32 @p1 $0x1  }
0x15: {  	[smem:$0x3FB5] =	sst s0;
	s0 =	simm.s32 @!p2 $0x0  }
0x16: {  	s3 =	sld [smem:$0x3FDB];
	s0 =	simm.s32 @p2 $0x1  }
0x17: {  	s4 =	simm.s32 $0x1BF5;
	[smem:$0x3FB7] =	sst s0  }
0x18: {  	s0 =	sld [smem:$0x3F9A];
	_ =	swait.ge [sflag:s4], $0x0  }
0x19: {  	s7 =	sld [smem:$0x3F9B]  }
0x1a: {  	s8 =	sadd.s32 $0xFFFFE003, lr  }
0x1b: {  	s9 =	sadd.s32 $0xFFFFFEF7, lr;
	s5 =	simm.s32 $0xFFFFFFFF;
	p2 =	slt.u32 s8, $0xFFFFF086  }
0x1c: {  	p1 =	slt.u32 s9, $0xF7A;
	s5 =	simm.s32 @!p2 $0x0  }
0x1d: {  	s5 =	simm.s32 @p1 $0x1;
	p0 =	seq.s32 s7, s2  }
0x1e: {  	s7 =	smul.u32 @!p0 $0xF7A, s2;
	p2 =	seq.s32 @!p0 s5, $0x0  }
0x1f: {  	s9 =	smul.u32 $0xF7A, s1;
	s8 =	simm.s32 @!p0 $0x1BF5;
	p2 =	por !p2, p0  }
0x20: {  	[sflag:s8] =	ssyncset.s32 @!p0 $0xFFFFF086;
	s6 =	sadd.s32 @!p0 s3, s7;
	s7 =	simm.s32 @!p0 $0x108  }
0x21: {  	s3 =	sadd.s32 s3, s9;
	s6 =	sadd.s32 @!p0 $0x88, s6;
	s7 =	simm.s32 @p2 $0x1082  }
0x22: {  	[simem:s7], [sflag:s8] =	dma.local @!p0 [hbm:s6], $0xF7A  }
0x23: {  	s9 =	sor.u32 $0xD0000000, s2;
	s6 =	simm.s32 $0x108;
	_ =	swait.ge @!p0 [sflag:s8], $0x0  }
0x24: {  	s3 =	sadd.s32 $0x88, s3;
	s6 =	simm.s32 @!p1 $0x1082;
	[sflag:s4] =	ssyncset.s32 $0xFFFFF086  }
0x25: {  	[simem:s6], [sflag:s4] =	dma.local [hbm:s3], $0xF7A  }
0x26: {  	[smem:$0x3F9B] =	sst s1;
	(tag) =	ssettag s2;
	_ =	strace s9  }
0x27: {  	s1 =	sld [smem:$0x3FAB]  }
0x28: {  	s2 =	sld [smem:$0x3FAC]  }
0x29: {  	s4 =	sld [smem:$0x3FAE]  }
0x2a: {  	p0 =	seq.s32 s5, $0x0;
	s5 =	sld [smem:$0x3FAF]  }
0x2b: {  	s6 =	sld [smem:$0x3FB0]  }
0x2c: {  	s7 =	sld [smem:$0x3FB1]  }
0x2d: {  	s3 =	simm.s32 $0x108;
	s8 =	sld [smem:$0x3FB2]  }
0x2e: {  	s3 =	simm.s32 @!p0 $0x1082;
	s9 =	sld [smem:$0x3FB3]  }
0x2f: {  	lr =	sadd.s32 s0, s3;
	s0 =	sld [smem:$0x3FAA]  }
0x30: {  	s3 =	sld [smem:$0x3FAD]  }
0x31: {  	[smem:$0x3FB6] =	sst s10  }
0x32: {  	s10 =	sld [smem:$0x3FB4];
	_ =	sdelay $0x3  }
0x33: {  	p0 =	seq.s32 s10, $0x1;
	s10 =	sld [smem:$0x3FB6];
	_ =	sdelay $0x3  }
0x34: {  	[smem:$0x3FB6] =	sst s10  }
0x35: {  	s10 =	sld [smem:$0x3FB5];
	_ =	sdelay $0x3  }
0x36: {  	p1 =	seq.s32 s10, $0x1;
	s10 =	sld [smem:$0x3FB6];
	_ =	sdelay $0x3  }
0x37: {  	[smem:$0x3FB6] =	sst s10  }
0x38: {  	s10 =	sld [smem:$0x3FB7]  }
0x39: {  	_ = 	snop;
	(pc) =	sbr.ind lr, $3  }
0x3a: {  	_ = 	snop  }
0x3b: {  	_ = 	snop  }
0x3c: {  	p2 =	seq.s32 s10, $0x1;
	s10 =	sld [smem:$0x3FB6]  }
0x3d: {  	_ =	shalt  }
0x3e: {  	_ =	shalt  }
0x3f: {  	_ =	shalt  }
0x40: {  	_ =	shalt  }
0x41: {  	_ =	shalt  }
0x42: {  	_ =	shalt  }
0x43: {  	_ =	shalt  }
0x44: {  	_ =	shalt  }
0x45: {  	_ =	shalt  }
0x46: {  	_ =	shalt  }
0x47: {  	_ =	shalt  }
0x48: {  	_ =	shalt  }
0x49: {  	_ =	shalt  }
0x4a: {  	_ =	shalt  }
0x4b: {  	_ =	shalt  }
0x4c: {  	_ =	shalt  }
0x4d: {  	_ =	shalt  }
0x4e: {  	_ =	shalt  }
0x4f: {  	_ =	shalt  }
0x50: {  	_ =	shalt  }
0x51: {  	_ =	shalt  }
0x52: {  	_ =	shalt  }
0x53: {  	_ =	shalt  }
0x54: {  	_ =	shalt  }
0x55: {  	_ =	shalt  }
0x56: {  	_ =	shalt  }
0x57: {  	_ =	shalt  }
0x58: {  	_ =	shalt  }
0x59: {  	_ =	shalt  }
0x5a: {  	_ =	shalt  }
0x5b: {  	_ =	shalt  }
0x5c: {  	_ =	shalt  }
0x5d: {  	_ =	shalt  }
0x5e: {  	_ =	shalt  }
0x5f: {  	_ =	shalt  }
0x60: {  	_ =	shalt  }
0x61: {  	_ =	shalt  }
0x62: {  	_ =	shalt  }
0x63: {  	_ =	shalt  }
0x64: {  	_ =	shalt  }
0x65: {  	_ =	shalt  }
0x66: {  	_ =	shalt  }
0x67: {  	_ =	shalt  }
0x68: {  	_ =	shalt  }
0x69: {  	_ =	shalt  }
0x6a: {  	_ =	shalt  }
0x6b: {  	_ =	shalt  }
0x6c: {  	_ =	shalt  }
0x6d: {  	_ =	shalt  }
0x6e: {  	_ =	shalt  }
0x6f: {  	_ =	shalt  }
0x70: {  	_ =	shalt  }
0x71: {  	_ =	shalt  }
0x72: {  	_ =	shalt  }
0x73: {  	_ =	shalt  }
0x74: {  	_ =	shalt  }
0x75: {  	_ =	shalt  }
0x76: {  	_ =	shalt  }
0x77: {  	_ =	shalt  }
0x78: {  	_ =	shalt  }
0x79: {  	_ =	shalt  }
0x7a: {  	_ =	shalt  }
0x7b: {  	_ =	shalt  }
0x7c: {  	_ =	shalt  }
0x7d: {  	_ =	shalt  }
0x7e: {  	_ =	shalt  }
0x7f: {  	_ =	shalt  }
0x80: {  	_ =	shalt  }
0x81: {  	_ =	shalt  }
0x82: {  	_ =	shalt  }
0x83: {  	_ =	shalt  }
0x84: {  	_ =	shalt  }
0x85: {  	_ =	shalt  }
0x86: {  	_ =	shalt  }
0x87: {  	_ =	shalt  }
.Lfunc_end0:
.L_simem_size_0:
called_computation_lowered:
.L_overlay_start_0:
0x88: {  	s2 =	sld [smem:$0x3FD9]  }
0x89: {  	s3 =	sld [smem:$0x3FFE];
	_ =	sdelay $0x1  }
0x8a: {  	s1 =	srdreg.scid  }
0x8b: {  	s0 =	sand.u32 $0x1, s1  }
0x8c: {  	s15 =	sshll.u32 s0, $0xA;
	s2 =	sadd.s32 s3, s2  }
0x8d: {  	s2 =	sadd.s32 s2, s15  }
0x8e: {  	[smem:$0x3FC2] =	sst s2  }
0x8f: {  	_ = 	snop  }
0x90: {  	s2 =	sld [smem:$0x3FD0];
	_ =	sdelay $0x2  }
0x91: {  	s4 =	simm.s32 $0xA;
	s5 =	simm.s32 $0x10;
	s16 =	sld [smem:$0x3FC8]  }
0x92: {  	[smem:s5], [sflag:s4] =	dma.local [hbm:s2], $0x1  }
0x93: {  	_ =	swait.eq [sflag:s4], $0x1  }
0x94: {  	[sflag:s4] =	ssyncset.done $0x0  }
0x95: {  	s17 =	sld [smem:$0x12];
	[sflag:s4] =	ssyncadd.s32 $0xFFFFFFFF  }
0x96: {  	s18 =	sld [smem:$0x13];
	(tm) =	ssettm $0x1  }
0x97: {  	s19 =	sld [smem:$0x3FFB];
	_ =	sdelay $0x3  }
0x98: {  	_ =	strace s19  }
0x99: {  	s5 =	sld [smem:$0x3FFC];
	_ =	sdelay $0x3  }
0x9a: {  	_ =	strace s5  }
0x9b: {  	s5 =	sld [smem:$0x3FFD];
	_ =	sdelay $0x3  }
0x9c: {  	_ =	strace s5  }
0x9d: {  	_ =	strace $0x8FFFFFFF  }
0x9e: {  	s20 =	sld [smem:$0x3FDB];
	_ =	sdelay $0x1  }
0x9f: {  	s6 =	simm.s32 $_scs_section_size  }
0xa0: {  	s7 =	simm.s32 $_size__tile_overlayer_lowered;
	s8 =	simm.s32 $_tile_overlayer_lowered  }
0xa1: {  	s23 =	simm.s32 $0x1BFF;
	s22 =	sshll.u32 s8, $0x1;
	s5 =	sadd.s32 s6, s20  }
0xa2: {  	s9 =	simm.s32 $0x0;
	s21 =	sshll.u32 s7, $0x1;
	s7 =	sadd.s32 s22, s5  }
0xa3: {  	[timem:s9], [sflag:s23] =	dma.local [hbm:s7], s21  }
0xa4: {  	_ =	swait.ge [sflag:s23], s21  }
0xa5: {  	s6 =	ssub.s32 $0x0, s21;
	[sflag:s23] =	ssyncset.done $0x0  }
0xa6: {  	[sflag:s23] =	ssyncadd.s32 s6;
	_ =	sdelay $0x1  }
0xa7: {  	s24 =	simm.s32 $0x1B8B  }
0xa8: {  	_ =	swait.ge [sflag:s24], $0x1  }
0xa9: {  	[sflag:s24] =	ssyncset.done $0x0  }
0xaa: {  	s25 =	simm.s32 $0x1B8E;
	[sflag:s24] =	ssyncadd.s32 $0xFFFFFFFF  }
0xab: {  	s26 =	simm.s32 $execute0_lowered;
	[smem:$0x3FD2] =	sst s25  }
0xac: {  	s6 =	sshll.u32 s26, $0x1;
	_ =	strace $0x80000046;
	[dreg:$0x1] =	wrdreg $0xFFFFFFFF  }
0xad: {  	s28 =	simm.s32 $_size_execute0_lowered;
	s5 =	sadd.s32 s5, s6;
	[dreg:$0x0] =	wrdreg $0x0  }
0xae: {  	s6 =	sshll.u32 s28, $0x1;
	[dreg:$0x2] =	wrdreg s5  }
0xaf: {  	[dreg:$0x3] =	wrdreg s6  }
0xb0: {  	[dreg:$0x4] =	wrdreg $0xC0  }
0xb1: {  	_ =	task [dreg:s9], $0x5FFFF  }
0xb2: {  	[dreg:$0x1] =	wrdreg $0xFFFFFFFF  }
0xb3: {  	[dreg:$0x0] =	wrdreg $0x60  }
0xb4: {  	[dreg:$0x2] =	wrdreg s16  }
0xb5: {  	[dreg:$0x3] =	wrdreg s17  }
0xb6: {  	[dreg:$0x4] =	wrdreg s18  }
0xb7: {  	[dreg:$0x5] =	wrdreg $0x9  }
0xb8: {  	_ =	task.clear_ibuf [dreg:s9], $0x6FFFF;
	_ =	strace $0x90000046  }
0xb9: {  	s29 =	simm.s32 $0x9;
	_ =	strace $0x80000048  }
0xba: {  	_ =	swait.ge [sflag:s29], $0x1  }
0xbb: {  	[sflag:s29] =	ssyncadd.s32 $0xFFFFFFFF  }
0xbc: {  	_ =	strace $0x90000048  }
0xbd: {  	_ =	sfence  }
0xbe: {  	s30 =	sld [smem:$0x0];
	_ =	sdelay $0x2  }
0xbf: {  	s31 =	sshll.u32 s1, $0xD;
	s1 =	sshrl.u32 s1, $0x2  }
0xc0: {  	s3 =	sand.u32 $0x4000, s31;
	s1 =	sadd.s32 s1, s30  }
0xc1: {  	s0 =	sor.u32 s3, s0;
	s1 =	sshll.u32 s1, $0x11  }
0xc2: {  	s0 =	sor.u32 s1, s0  }
0xc3: {  	s0 =	sadd.s32 $0x8F2B, s0  }
0xc4: {  	[sflag:s0] =	ssyncadd.remote.s32 $0x1  }
0xc5: {  	_ =	sfence.sel $0xFFFF  }
0xc6: {  	[dreg:$0x0] =	wrdreg $0xFFFFFFFF;
	(pc) =	sbr.abs _section_cstart, $3  }
0xc7: {  	[dreg:$0x1] =	wrdreg $0xFFFFFFFF  }
0xc8: {  	_ =	task.clear_ibuf [dreg:s9], $0x2FFFF;
	_ =	strace $0x9FFFFFFF  }
0xc9: {  	(tm) =	ssettm $0x7FFFFFFF  }
tec
execute0_lowered:
.L_overlay_start_1:
0x0: {  	(tag) =	ssettag $0x1  }
0x1: {  	s0 =	srdreg.scid  }
0x2: {  	s5 =	sand.u32 $0x1, s0;
	s0 =	stileid.u32  }
0x3: {  	s6 =	sshll.u32 s0, $0x1;
	s7 =	ssub.s32 $0x0, s5  }
0x4: {  	p0 =	sne.s32 s6, s7  }
.Ltmp0:
0x5: {  	_ = 	snop;
	(pc) =	sbr.rel @p0 .LBB2_5-.Ltmp0, $4  }
0x6: {  	s1 =	rddreg [dreg:$0x0]  }
0x7: {  	s3 =	rddreg [dreg:$0x1]  }
0x8: {  	s4 =	rddreg [dreg:$0x2]  }
0x9: {  	s2 =	rddreg [dreg:$0x3];
	_ =	strace $0x80000047  }
0xa: {  	s5 =	ssub.s32 $0x2, s5  }
0xb: {  	s7 =	simm.s32 $0x1;
	s6 =	sshrl.u32 s5, $0x1  }
0xc: {  	s8 =	simm.s32 $0x1000;
	s9 =	simm.s32 $0x2080;
	s5 =	ssub.s32 s5, s6  }
0xd: {  	v0 =	vlaneseq.u32;
	v1 =	vimm.s32 $0x0;
	s10 =	simm.s32 $0x0;
	s6 =	simm.s32 $0x0;
	s5 =	smax.u32 s5, $0x1  }
.LBB2_2:
0xe: {  	[tilespmem:s6], [sflag:$0x1] =	stream.linear.gather [hbm4b:s1+s6], $0x1000, $0x38;
	[tilespmem:$0x2100] =	vst v63  }
0xf: {  	_ =	swait.ge [sflag:s7], $0x1000  }
0x10: {  	[sflag:s7] =	ssyncset.done $0x0  }
0x11: {  	[sflag:s7] =	ssyncadd.s32 $0xFFFFF000  }
0x12: {  	v2 =	vld [tilespmem:s6+$0x0];
	_ =	sdelay $0x4  }
0x13: {  	v3 =	vtrunc.f32 v2  }
0x14: {  	v3 =	vcvt.f32.s32 v3;
	_ =	sdelay $0x1  }
0x15: {  	(xrf0) =	vadd.scan.msk.s32 $0xffff, v3;
	_ =	sdelay $0x5  }
0x16: {  	s11 =	simm.s32 $0xFFFFFFFF;
	vm0 =	vgt.f32 v2, $0.0e+00;
	v2, _, _ =	vpop (xrf0)  }
0x17: {  	v3 =	vadd.s32 s11, v2;
	(v2sf) =	vpush v2, $0xF;
	_ =	sdelay $0x3  }
0x18: {  	v4 =	vor.u32 s6, v0  }
0x19: {  	s11 =	simm.s32 $0x10;
	[tilespmem:v3+s8+$0x0] =	vst.idx.msk vm0, v4  }
0x1a: {  	s13 =	simm.s32 $0x20;
	s12 =	simm.s32 $0x0;
	s14 =	simm.s32 $0x10;
	v2 =	vld [tilespmem:s11+$0x0]  }
.LBB2_3:
0x1b: {  	p0 =	sne.s32 s13, $0xFF0;
	_ =	sdelay $0x3  }
0x1c: {  	v3 =	vtrunc.f32 v2;
	vm0 =	vgt.f32 v2, $0.0e+00  }
0x1d: {  	v2 =	vcvt.f32.s32 v3;
	_ =	sdelay $0x1  }
0x1e: {  	(xrf0) =	vadd.scan.msk.s32 $0xffff, v2  }
0x1f: {  	s15 =	spop (v2sf)  }
0x20: {  	s12 =	sadd.s32 s12, s15  }
0x21: {  	s15 =	sadd.s32 $0xFFFFFFFF, s12;
	_ =	sdelay $0x2  }
0x22: {  	v2, _, _ =	vpop (xrf0)  }
0x23: {  	v3 =	vadd.s32 s15, v2;
	(v2sf) =	vpush v2, $0xF;
	_ =	sdelay $0x1  }
.Ltmp1:
0x24: {  	(pc) =	sbr.rel @p0 .LBB2_3-.Ltmp1, $4  }
0x25: {  	_ = 	snop  }
0x26: {  	v2 =	vor.u32 s11, v0;
	s11 =	smov.u32 s13  }
0x27: {  	s14 =	sadd.s32 $0x10, s14;
	[tilespmem:v3+s8+$0x0] =	vst.idx.msk vm0, v2  }
0x28: {  	s13 =	sadd.s32 $0x10, s13;
	v2 =	vld [tilespmem:s14+$0x0]  }
0x29: {  	_ =	sdelay $0x3  }
0x2a: {  	v3 =	vtrunc.f32 v2  }
0x2b: {  	v3 =	vcvt.f32.s32 v3;
	_ =	sdelay $0x1  }
0x2c: {  	(xrf0) =	vadd.scan.msk.s32 $0xffff, v3;
	_ =	sdelay $0x5  }
0x2d: {  	v3, _, _ =	vpop (xrf0)  }
0x2e: {  	(v2sf) =	vpush v3, $0xF;
	_ =	sdelay $0x7  }
0x2f: {  	s13 =	spop (v2sf)  }
0x30: {  	s12 =	sadd.s32 s12, s13  }
0x31: {  	vm0 =	vgt.f32 v2, $0.0e+00;
	s13 =	sadd.s32 $0xFFFFFFFF, s12  }
0x32: {  	v2 =	vadd.s32 s13, v3;
	_ =	sdelay $0x3  }
0x33: {  	v3 =	vor.u32 s11, v0;
	s31 =	spop (v2sf)  }
0x34: {  	[tilespmem:v2+s8+$0x0] =	vst.idx.msk vm0, v3;
	s11 =	sadd.s32 s12, s31  }
0x35: {  	[tilespmem:s11+$0x1000] =	vst v1;
	v2 =	vmov s11  }
0x36: {  	[tilespmem:$0x2080] =	vst v2  }
0x37: {  	[hbm4b:s3+s6] =	stream.linear.scatter [tilespmem:s8], [sflag:$0x1], $0x1080, $0x38;
	[tilespmem:$0x2100] =	vst v63  }
0x38: {  	s10 =	sadd.s32 $0x1, s10;
	_ =	swait.ge [sflag:s7], $0x1080  }
0x39: {  	p0 =	sne.s32 s10, s5;
	[sflag:s7] =	ssyncset.done $0x0  }
.Ltmp2:
0x3a: {  	[sflag:s7] =	ssyncadd.s32 $0xFFFFEF80;
	(pc) =	sbr.rel @p0 .LBB2_2-.Ltmp2, $4  }
0x3b: {  	[hbm4b:s4+s6] =	stream.linear.scatter [tilespmem:s9], [sflag:$0x1], $0x80, $0x38;
	[tilespmem:$0x2100] =	vst v63  }
0x3c: {  	_ =	swait.ge [sflag:s7], $0x80  }
0x3d: {  	[sflag:s7] =	ssyncset.done $0x0  }
0x3e: {  	[sflag:s7] =	ssyncadd.s32 $0xFFFFFF80  }
.LBB2_5:
0x3f: {  	_ =	sfence.sel $0x180000  }
0x40: {  	[bflag:$0x0] =	sbarrier.arrive $0xFFFF  }
0x41: {  	p0 =	sne.s32 s0, $0x0;
	_ =	strace $0x90000047  }
0x42: {  	s0 =	sadd.s32 @!p0 $0x100000, s2;
	[bflag:$0x2] =	sbarrier.arrive $0xFFFF  }
0x43: {  	[sflag:s0] =	ssyncadd.tile.s32 @!p0 $0x1;
	_ =	shalt  }
.Lfunc_end2:
_tile_overlayer_lowered:
.L_overlay_start_2:
0x44: {  	(tag) =	ssettag $0x2  }
0x45: {  	s0 =	rddreg [dreg:$0x0];
	s2 =	stileid.u32  }
0x46: {  	s1 =	rddreg [dreg:$0x1];
	p0 =	sne.s32 s2, $0x0  }
0x47: {  	s3 =	rddreg [dreg:$0x2];
	[bflag:$0x3] =	sbarrier.arrive $0xFFFF;
	s2 =	simm.s32 @!p0 $0x1C01  }
0x48: {  	[timem:s3], [sflag:s2] =	dma.local @!p0 [hbm:s0], s1  }
0x49: {  	s0 =	simm.s32 @!p0 $0x1  }
0x4a: {  	_ =	swait.ge @!p0 [sflag:s0], s1  }
0x4b: {  	s1 =	ssub.s32 @!p0 $0x0, s1;
	[sflag:s0] =	ssyncset.done @!p0 $0x0  }
0x4c: {  	[sflag:s0] =	ssyncadd.s32 @!p0 s1  }
0x4d: {  	[bflag:$0x3] =	sbarrier.arrive $0xFFFF  }
0x4e: {  	_ =	shalt  }

</sc_bundles>
